<compile_context>
chip_gen: v7x
topology: tpu7x:2x2x1
jax: 0.10.2.dev20260603
libtpu: 0.0.44.dev20260713+nightly
codegen_flags: <defaults>
</compile_context>

<pallas_src>
import functools

import jax
import jax.numpy as jnp
from jax import lax
from jax.experimental import pallas as pl
from jax.experimental.pallas import tpu as pltpu
from jax.experimental.pallas import tpu_sc as plsc

_VOCAB = 100000
_EMBD = 64
_BATCH = 4096
_MAX_TIME = 200

_NW = 32
_B_PER_W = _BATCH // _NW
_IDX_PER_W = _B_PER_W * _MAX_TIME
_CHUNK = 640
_NCHUNK = _IDX_PER_W // _CHUNK


def _body(inputs_hbm, lens_hbm, table_hbm, enc_hbm, fs_hbm,
          idx_v, rows_v, lens_v, pos_v, ids_v, fs_v,
          gsem0, gsem1, fsem):
    wid = lax.axis_index("s") * 2 + lax.axis_index("c")
    ibase = wid * _IDX_PER_W
    bbase = wid * _B_PER_W
    gsems = (gsem0, gsem1)

    pltpu.sync_copy(inputs_hbm.at[pl.ds(ibase, _IDX_PER_W)], idx_v)

    def start_gather(g, b):
        pltpu.async_copy(
            table_hbm.at[idx_v.at[pl.ds(g * _CHUNK, _CHUNK)]],
            rows_v.at[b], gsems[b])

    def wait_gather(b):
        pltpu.make_async_copy(
            table_hbm.at[idx_v.at[pl.ds(0, _CHUNK)]],
            rows_v.at[b], gsems[b]).wait()

    start_gather(0, 0)

    @pl.loop(0, _NCHUNK // 2)
    def _chunk_pair(i):
        for b in range(2):
            g = i * 2 + b
            wait_gather(b)

            @pl.when(g + 1 < _NCHUNK)
            def _():
                start_gather(g + 1, 1 - b)

            pltpu.sync_copy(rows_v.at[b],
                            enc_hbm.at[pl.ds(ibase + g * _CHUNK, _CHUNK)])

    pltpu.sync_copy(lens_hbm.at[pl.ds(bbase, _B_PER_W)], lens_v)
    for i in range(_B_PER_W // 16):
        lens = lens_v[pl.ds(i * 16, 16)]
        last = jnp.clip(lens - 1, 0, _MAX_TIME - 1)
        b_abs = jnp.arange(16, dtype=jnp.int32) + (bbase + i * 16)
        pos_v[pl.ds(i * 16, 16)] = b_abs * _MAX_TIME + last
    pltpu.async_copy(inputs_hbm.at[pos_v], ids_v, fsem).wait()
    pltpu.async_copy(table_hbm.at[ids_v], fs_v, fsem).wait()
    pltpu.sync_copy(fs_v, fs_hbm.at[pl.ds(bbase, _B_PER_W)])


@functools.cache
def _build():
    mesh = plsc.VectorSubcoreMesh(core_axis_name="c", subcore_axis_name="s")
    return pl.kernel(
        _body,
        out_type=(
            jax.ShapeDtypeStruct((_BATCH * _MAX_TIME, _EMBD), jnp.float32),
            jax.ShapeDtypeStruct((_BATCH, _EMBD), jnp.float32),
        ),
        mesh=mesh,
        scratch_types=[
            pltpu.VMEM((_IDX_PER_W,), jnp.int32),
            pltpu.VMEM((2, _CHUNK, _EMBD), jnp.float32),
            pltpu.VMEM((_B_PER_W,), jnp.int32),
            pltpu.VMEM((_B_PER_W,), jnp.int32),
            pltpu.VMEM((_B_PER_W,), jnp.int32),
            pltpu.VMEM((_B_PER_W, _EMBD), jnp.float32),
            pltpu.SemaphoreType.DMA,
            pltpu.SemaphoreType.DMA,
            pltpu.SemaphoreType.DMA,
        ],
        compiler_params=pltpu.CompilerParams(use_tc_tiling_on_sc=False),
    )


def kernel(inputs, input_lengths, table):
    enc_flat, final_state = _build()(
        inputs.reshape(-1), input_lengths, table)
    return enc_flat.reshape(_BATCH, _MAX_TIME, _EMBD), final_state

# --- scband reference (transcript-rebuilt; emitter-appended) ---
"""Pipeline reference for scband-base-encoder-80470507258054 (READ-ONLY COPY).

The authoritative reference and input builder live on the scoring server;
editing this copy changes nothing except your own understanding.
"""

import jax, jax.numpy as jnp
import numpy as np

VOCAB = 100000
EMBD = 64
BATCH = 4096
MAX_TIME = 200

def setup_inputs(seed: int = 0) -> dict:
    key = jax.random.key(seed)
    k1, k2, k3 = jax.random.split(key, 3)
    inputs = jax.random.randint(k1, (BATCH, MAX_TIME), 0, VOCAB, dtype=jnp.int64 if jax.config.jax_enable_x64 else jnp.int32).astype(jnp.int32)
    input_lengths = jax.random.randint(k2, (BATCH,), 1, MAX_TIME + 1).astype(jnp.int32)
    table = jax.random.normal(k3, (VOCAB, EMBD), dtype=jnp.float32) * 0.05
    return {"inputs": inputs, "input_lengths": input_lengths, "table": table}

def reference(inputs, input_lengths, table):
    # BaseEncoder: embedding lookup producing per-timestep text encoding,
    # plus the final-time state gathered at position input_lengths-1.
    enc = jnp.take(table, inputs, axis=0)                      # [B, T, D]
    last = jnp.clip(input_lengths - 1, 0, enc.shape[1] - 1)    # [B]
    final_state = enc[jnp.arange(enc.shape[0]), last]          # [B, D]
    return enc, final_state

if __name__ == "__main__":
    import jax
    _d = setup_inputs()
    print(jax.jit(kernel)(*tuple(_d.values())))

</pallas_src>

<mosaic_0001>
#map = affine_map<(d0, d1) -> (0)>
#map1 = affine_map<(d0, d1) -> (0, 0)>
module attributes {stable_mosaic.version = 14 : i64} {
  func.func @_body(%arg0: i32, %arg1: i32, %arg2: memref<819200xi32, #tpu.memory_space<hbm>>, %arg3: memref<4096xi32, #tpu.memory_space<hbm>>, %arg4: memref<100000x64xf32, #tpu.memory_space<hbm>>, %arg5: memref<819200x64xf32, #tpu.memory_space<hbm>>, %arg6: memref<4096x64xf32, #tpu.memory_space<hbm>>, %arg7: memref<25600xi32, #tpu.memory_space<vmem>>, %arg8: memref<2x640x64xf32, #tpu.memory_space<vmem>>, %arg9: memref<128xi32, #tpu.memory_space<vmem>>, %arg10: memref<128xi32, #tpu.memory_space<vmem>>, %arg11: memref<128xi32, #tpu.memory_space<vmem>>, %arg12: memref<128x64xf32, #tpu.memory_space<vmem>>, %arg13: memref<!tpu.dma_semaphore, #tpu.memory_space<semaphore_mem>>, %arg14: memref<!tpu.dma_semaphore, #tpu.memory_space<semaphore_mem>>, %arg15: memref<!tpu.dma_semaphore, #tpu.memory_space<semaphore_mem>>) attributes {dimension_semantics = [#tpu.dimension_semantics<core_parallel>, #tpu.dimension_semantics<subcore_parallel>], iteration_bounds = array<i64: 2, 16>, scalar_prefetch = 0 : i64, scratch_operands = 9 : i64, tpu.core_type = #tpu.core_type<sc_vector_subcore>, window_params = [{transform_indices = #map}, {transform_indices = #map}, {transform_indices = #map1}, {transform_indices = #map1}, {transform_indices = #map1}]} {
    %mul3A = arith.constant 2 : i32
    %mul3A_0 = arith.muli %arg1, %mul3A : i32
    %add3A = arith.addi %mul3A_0, %arg0 : i32
    %mul3A_1 = arith.constant 25600 : i32
    %mul3A_2 = arith.muli %add3A, %mul3A_1 : i32
    %mul3A_3 = arith.constant 128 : i32
    %mul3A_4 = arith.muli %add3A, %mul3A_3 : i32
    "tpu.region"() ({
      %run_scoped3A = tpu.sem_alloc : memref<!tpu.dma_semaphore, #tpu.memory_space<semaphore_mem>>
      %dma_start3A_220 = tpu.memref_slice %arg2[%mul3A_2] : memref<819200xi32, #tpu.memory_space<hbm>> -> memref<25600xi32, #tpu.memory_space<hbm>>
      %dma_start3A_221 = tpu.memref_slice %arg2[%mul3A_2] : memref<819200xi32, #tpu.memory_space<hbm>> -> memref<25600xi32, #tpu.memory_space<hbm>>
      tpu.enqueue_dma source(%dma_start3A_221 : memref<25600xi32, #tpu.memory_space<hbm>>) target(%arg7 : memref<25600xi32, #tpu.memory_space<vmem>>) target_semaphore(%run_scoped3A : memref<!tpu.dma_semaphore, #tpu.memory_space<semaphore_mem>>)
      %dma_wait3A_222 = tpu.memref_slice %arg2[%mul3A_2] : memref<819200xi32, #tpu.memory_space<hbm>> -> memref<25600xi32, #tpu.memory_space<hbm>>
      %dma_wait3A_223 = tpu.memref_slice %arg2[%mul3A_2] : memref<819200xi32, #tpu.memory_space<hbm>> -> memref<25600xi32, #tpu.memory_space<hbm>>
      tpu.wait_dma2 semaphore(%run_scoped3A : memref<!tpu.dma_semaphore, #tpu.memory_space<semaphore_mem>>) src(%dma_wait3A_223 : memref<25600xi32, #tpu.memory_space<hbm>>) dst(%arg7 : memref<25600xi32, #tpu.memory_space<vmem>>)
      tpu.yield
    }) : () -> ()
    %dma_start3A = arith.constant 0 : i32
    %dma_start3A_5 = arith.constant 0 : i32
    %dma_start3A_6 = arith.constant 0 : i32
    %dma_start3A_7 = tpu.memref_slice %arg8[%dma_start3A, %dma_start3A_5, %dma_start3A_6] : memref<2x640x64xf32, #tpu.memory_space<vmem>> -> memref<1x640x64xf32, #tpu.memory_space<vmem>>
    %dma_start3A_8 = tpu.memref_squeeze %dma_start3A_7 : memref<1x640x64xf32, #tpu.memory_space<vmem>> -> memref<640x64xf32, #tpu.memory_space<vmem>>
    %dma_start3A_9 = arith.constant 0 : i32
    %dma_start3A_10 = tpu.memref_slice %arg7[%dma_start3A_9] : memref<25600xi32, #tpu.memory_space<vmem>> -> memref<640xi32, #tpu.memory_space<vmem>>
    %dma_start3A_11 = arith.constant 0 : i32
    %dma_start3A_12 = arith.constant 0 : i32
    %dma_start3A_13 = tpu.memref_slice %arg4[%dma_start3A_11, %dma_start3A_12] : memref<100000x64xf32, #tpu.memory_space<hbm>> -> memref<100000x64xf32, #tpu.memory_space<hbm>>
    tpu.enqueue_indirect_dma source(%dma_start3A_13 : memref<100000x64xf32, #tpu.memory_space<hbm>>) target(%dma_start3A_8 : memref<640x64xf32, #tpu.memory_space<vmem>>) offsets(%dma_start3A_10 : memref<640xi32, #tpu.memory_space<vmem>>) semaphore(%arg13 : memref<!tpu.dma_semaphore, #tpu.memory_space<semaphore_mem>>)
    %scan3A = arith.constant 0 : i32
    %scan3A_14 = arith.constant 20 : i32
    %scan3A_15 = arith.addi %scan3A, %scan3A_14 : i32
    %scan3A_16 = arith.constant 1 : i32
    scf.for %scan3A_220 = %scan3A to %scan3A_15 step %scan3A_16  : i32 {
      %mul3A_221 = arith.constant 1 : i32
      %mul3A_222 = arith.muli %scan3A_220, %mul3A_221 : i32
      %add3A_223 = arith.constant 0 : i32
      %add3A_224 = arith.addi %add3A_223, %mul3A_222 : i32
      %mul3A_225 = arith.constant 2 : i32
      %mul3A_226 = arith.muli %add3A_224, %mul3A_225 : i32
      %add3A_227 = arith.constant 0 : i32
      %add3A_228 = arith.addi %mul3A_226, %add3A_227 : i32
      %dma_wait3A_229 = arith.constant 0 : i32
      %dma_wait3A_230 = arith.constant 0 : i32
      %dma_wait3A_231 = arith.constant 0 : i32
      %dma_wait3A_232 = tpu.memref_slice %arg8[%dma_wait3A_229, %dma_wait3A_230, %dma_wait3A_231] : memref<2x640x64xf32, #tpu.memory_space<vmem>> -> memref<1x640x64xf32, #tpu.memory_space<vmem>>
      %dma_wait3A_233 = tpu.memref_squeeze %dma_wait3A_232 : memref<1x640x64xf32, #tpu.memory_space<vmem>> -> memref<640x64xf32, #tpu.memory_space<vmem>>
      %dma_wait3A_234 = arith.constant 0 : i32
      %dma_wait3A_235 = tpu.memref_slice %arg7[%dma_wait3A_234] : memref<25600xi32, #tpu.memory_space<vmem>> -> memref<640xi32, #tpu.memory_space<vmem>>
      %dma_wait3A_236 = arith.constant 0 : i32
      %dma_wait3A_237 = arith.constant 0 : i32
      %dma_wait3A_238 = tpu.memref_slice %arg4[%dma_wait3A_236, %dma_wait3A_237] : memref<100000x64xf32, #tpu.memory_space<hbm>> -> memref<100000x64xf32, #tpu.memory_space<hbm>>
      tpu.wait_indirect_dma semaphore(%arg13 : memref<!tpu.dma_semaphore, #tpu.memory_space<semaphore_mem>>) src(%dma_wait3A_238 : memref<100000x64xf32, #tpu.memory_space<hbm>>) dst(%dma_wait3A_233 : memref<640x64xf32, #tpu.memory_space<vmem>>)
      %add3A_239 = arith.constant 1 : i32
      %add3A_240 = arith.addi %add3A_228, %add3A_239 : i32
      %lt3A = arith.constant 40 : i32
      %lt3A_241 = arith.cmpi slt, %add3A_240, %lt3A : i32
      %convert_element_type3A = arith.extui %lt3A_241 : i1 to i32
      %cond3A = arith.constant 0 : i32
      %cond3A_242 = arith.cmpi ne, %convert_element_type3A, %cond3A : i32
      scf.if %cond3A_242 {
        %add3A_271 = arith.constant 1 : i32
        %add3A_272 = arith.addi %add3A_228, %add3A_271 : i32
        %mul3A_273 = arith.constant 640 : i32
        %mul3A_274 = arith.muli %add3A_272, %mul3A_273 : i32
        %dma_start3A_275 = arith.constant 1 : i32
        %dma_start3A_276 = arith.constant 0 : i32
        %dma_start3A_277 = arith.constant 0 : i32
        %dma_start3A_278 = tpu.memref_slice %arg8[%dma_start3A_275, %dma_start3A_276, %dma_start3A_277] : memref<2x640x64xf32, #tpu.memory_space<vmem>> -> memref<1x640x64xf32, #tpu.memory_space<vmem>>
        %dma_start3A_279 = tpu.memref_squeeze %dma_start3A_278 : memref<1x640x64xf32, #tpu.memory_space<vmem>> -> memref<640x64xf32, #tpu.memory_space<vmem>>
        %dma_start3A_280 = tpu.memref_slice %arg7[%mul3A_274] : memref<25600xi32, #tpu.memory_space<vmem>> -> memref<640xi32, #tpu.memory_space<vmem>>
        %dma_start3A_281 = arith.constant 0 : i32
        %dma_start3A_282 = arith.constant 0 : i32
        %dma_start3A_283 = tpu.memref_slice %arg4[%dma_start3A_281, %dma_start3A_282] : memref<100000x64xf32, #tpu.memory_space<hbm>> -> memref<100000x64xf32, #tpu.memory_space<hbm>>
        tpu.enqueue_indirect_dma source(%dma_start3A_283 : memref<100000x64xf32, #tpu.memory_space<hbm>>) target(%dma_start3A_279 : memref<640x64xf32, #tpu.memory_space<vmem>>) offsets(%dma_start3A_280 : memref<640xi32, #tpu.memory_space<vmem>>) semaphore(%arg14 : memref<!tpu.dma_semaphore, #tpu.memory_space<semaphore_mem>>)
      } else {
      }
      %mul3A_243 = arith.constant 640 : i32
      %mul3A_244 = arith.muli %add3A_228, %mul3A_243 : i32
      %add3A_245 = arith.addi %mul3A_2, %mul3A_244 : i32
      %run_scoped3A = arith.constant 0 : i32
      "tpu.region"() ({
        %run_scoped3A_271 = tpu.sem_alloc : memref<!tpu.dma_semaphore, #tpu.memory_space<semaphore_mem>>
        %dma_start3A_272 = arith.constant 0 : i32
        %dma_start3A_273 = arith.constant 0 : i32
        %dma_start3A_274 = tpu.memref_slice %arg8[%run_scoped3A, %dma_start3A_272, %dma_start3A_273] : memref<2x640x64xf32, #tpu.memory_space<vmem>> -> memref<1x640x64xf32, #tpu.memory_space<vmem>>
        %dma_start3A_275 = tpu.memref_squeeze %dma_start3A_274 : memref<1x640x64xf32, #tpu.memory_space<vmem>> -> memref<640x64xf32, #tpu.memory_space<vmem>>
        %dma_start3A_276 = arith.constant 0 : i32
        %dma_start3A_277 = tpu.memref_slice %arg5[%add3A_245, %dma_start3A_276] : memref<819200x64xf32, #tpu.memory_space<hbm>> -> memref<640x64xf32, #tpu.memory_space<hbm>>
        %dma_start3A_278 = arith.constant 0 : i32
        %dma_start3A_279 = tpu.memref_slice %arg5[%add3A_245, %dma_start3A_278] : memref<819200x64xf32, #tpu.memory_space<hbm>> -> memref<640x64xf32, #tpu.memory_space<hbm>>
        %dma_start3A_280 = arith.constant 0 : i32
        %dma_start3A_281 = arith.constant 0 : i32
        %dma_start3A_282 = tpu.memref_slice %arg8[%run_scoped3A, %dma_start3A_280, %dma_start3A_281] : memref<2x640x64xf32, #tpu.memory_space<vmem>> -> memref<1x640x64xf32, #tpu.memory_space<vmem>>
        %dma_start3A_283 = tpu.memref_squeeze %dma_start3A_282 : memref<1x640x64xf32, #tpu.memory_space<vmem>> -> memref<640x64xf32, #tpu.memory_space<vmem>>
        tpu.enqueue_dma source(%dma_start3A_283 : memref<640x64xf32, #tpu.memory_space<vmem>>) target(%dma_start3A_279 : memref<640x64xf32, #tpu.memory_space<hbm>>) target_semaphore(%run_scoped3A_271 : memref<!tpu.dma_semaphore, #tpu.memory_space<semaphore_mem>>)
        %dma_wait3A_284 = arith.constant 0 : i32
        %dma_wait3A_285 = arith.constant 0 : i32
        %dma_wait3A_286 = tpu.memref_slice %arg8[%run_scoped3A, %dma_wait3A_284, %dma_wait3A_285] : memref<2x640x64xf32, #tpu.memory_space<vmem>> -> memref<1x640x64xf32, #tpu.memory_space<vmem>>
        %dma_wait3A_287 = tpu.memref_squeeze %dma_wait3A_286 : memref<1x640x64xf32, #tpu.memory_space<vmem>> -> memref<640x64xf32, #tpu.memory_space<vmem>>
        %dma_wait3A_288 = arith.constant 0 : i32
        %dma_wait3A_289 = tpu.memref_slice %arg5[%add3A_245, %dma_wait3A_288] : memref<819200x64xf32, #tpu.memory_space<hbm>> -> memref<640x64xf32, #tpu.memory_space<hbm>>
        %dma_wait3A_290 = arith.constant 0 : i32
        %dma_wait3A_291 = tpu.memref_slice %arg5[%add3A_245, %dma_wait3A_290] : memref<819200x64xf32, #tpu.memory_space<hbm>> -> memref<640x64xf32, #tpu.memory_space<hbm>>
        %dma_wait3A_292 = arith.constant 0 : i32
        %dma_wait3A_293 = arith.constant 0 : i32
        %dma_wait3A_294 = tpu.memref_slice %arg8[%run_scoped3A, %dma_wait3A_292, %dma_wait3A_293] : memref<2x640x64xf32, #tpu.memory_space<vmem>> -> memref<1x640x64xf32, #tpu.memory_space<vmem>>
        %dma_wait3A_295 = tpu.memref_squeeze %dma_wait3A_294 : memref<1x640x64xf32, #tpu.memory_space<vmem>> -> memref<640x64xf32, #tpu.memory_space<vmem>>
        tpu.wait_dma2 semaphore(%run_scoped3A_271 : memref<!tpu.dma_semaphore, #tpu.memory_space<semaphore_mem>>) src(%dma_wait3A_295 : memref<640x64xf32, #tpu.memory_space<vmem>>) dst(%dma_wait3A_291 : memref<640x64xf32, #tpu.memory_space<hbm>>)
        tpu.yield
      }) : () -> ()
      %mul3A_246 = arith.constant 2 : i32
      %mul3A_247 = arith.muli %add3A_224, %mul3A_246 : i32
      %add3A_248 = arith.constant 1 : i32
      %add3A_249 = arith.addi %mul3A_247, %add3A_248 : i32
      %dma_wait3A_250 = arith.constant 1 : i32
      %dma_wait3A_251 = arith.constant 0 : i32
      %dma_wait3A_252 = arith.constant 0 : i32
      %dma_wait3A_253 = tpu.memref_slice %arg8[%dma_wait3A_250, %dma_wait3A_251, %dma_wait3A_252] : memref<2x640x64xf32, #tpu.memory_space<vmem>> -> memref<1x640x64xf32, #tpu.memory_space<vmem>>
      %dma_wait3A_254 = tpu.memref_squeeze %dma_wait3A_253 : memref<1x640x64xf32, #tpu.memory_space<vmem>> -> memref<640x64xf32, #tpu.memory_space<vmem>>
      %dma_wait3A_255 = arith.constant 0 : i32
      %dma_wait3A_256 = tpu.memref_slice %arg7[%dma_wait3A_255] : memref<25600xi32, #tpu.memory_space<vmem>> -> memref<640xi32, #tpu.memory_space<vmem>>
      %dma_wait3A_257 = arith.constant 0 : i32
      %dma_wait3A_258 = arith.constant 0 : i32
      %dma_wait3A_259 = tpu.memref_slice %arg4[%dma_wait3A_257, %dma_wait3A_258] : memref<100000x64xf32, #tpu.memory_space<hbm>> -> memref<100000x64xf32, #tpu.memory_space<hbm>>
      tpu.wait_indirect_dma semaphore(%arg14 : memref<!tpu.dma_semaphore, #tpu.memory_space<semaphore_mem>>) src(%dma_wait3A_259 : memref<100000x64xf32, #tpu.memory_space<hbm>>) dst(%dma_wait3A_254 : memref<640x64xf32, #tpu.memory_space<vmem>>)
      %add3A_260 = arith.constant 1 : i32
      %add3A_261 = arith.addi %add3A_249, %add3A_260 : i32
      %lt3A_262 = arith.constant 40 : i32
      %lt3A_263 = arith.cmpi slt, %add3A_261, %lt3A_262 : i32
      %convert_element_type3A_264 = arith.extui %lt3A_263 : i1 to i32
      %cond3A_265 = arith.constant 0 : i32
      %cond3A_266 = arith.cmpi ne, %convert_element_type3A_264, %cond3A_265 : i32
      scf.if %cond3A_266 {
        %add3A_271 = arith.constant 1 : i32
        %add3A_272 = arith.addi %add3A_249, %add3A_271 : i32
        %mul3A_273 = arith.constant 640 : i32
        %mul3A_274 = arith.muli %add3A_272, %mul3A_273 : i32
        %dma_start3A_275 = arith.constant 0 : i32
        %dma_start3A_276 = arith.constant 0 : i32
        %dma_start3A_277 = arith.constant 0 : i32
        %dma_start3A_278 = tpu.memref_slice %arg8[%dma_start3A_275, %dma_start3A_276, %dma_start3A_277] : memref<2x640x64xf32, #tpu.memory_space<vmem>> -> memref<1x640x64xf32, #tpu.memory_space<vmem>>
        %dma_start3A_279 = tpu.memref_squeeze %dma_start3A_278 : memref<1x640x64xf32, #tpu.memory_space<vmem>> -> memref<640x64xf32, #tpu.memory_space<vmem>>
        %dma_start3A_280 = tpu.memref_slice %arg7[%mul3A_274] : memref<25600xi32, #tpu.memory_space<vmem>> -> memref<640xi32, #tpu.memory_space<vmem>>
        %dma_start3A_281 = arith.constant 0 : i32
        %dma_start3A_282 = arith.constant 0 : i32
        %dma_start3A_283 = tpu.memref_slice %arg4[%dma_start3A_281, %dma_start3A_282] : memref<100000x64xf32, #tpu.memory_space<hbm>> -> memref<100000x64xf32, #tpu.memory_space<hbm>>
        tpu.enqueue_indirect_dma source(%dma_start3A_283 : memref<100000x64xf32, #tpu.memory_space<hbm>>) target(%dma_start3A_279 : memref<640x64xf32, #tpu.memory_space<vmem>>) offsets(%dma_start3A_280 : memref<640xi32, #tpu.memory_space<vmem>>) semaphore(%arg13 : memref<!tpu.dma_semaphore, #tpu.memory_space<semaphore_mem>>)
      } else {
      }
      %mul3A_267 = arith.constant 640 : i32
      %mul3A_268 = arith.muli %add3A_249, %mul3A_267 : i32
      %add3A_269 = arith.addi %mul3A_2, %mul3A_268 : i32
      %run_scoped3A_270 = arith.constant 1 : i32
      "tpu.region"() ({
        %run_scoped3A_271 = tpu.sem_alloc : memref<!tpu.dma_semaphore, #tpu.memory_space<semaphore_mem>>
        %dma_start3A_272 = arith.constant 0 : i32
        %dma_start3A_273 = arith.constant 0 : i32
        %dma_start3A_274 = tpu.memref_slice %arg8[%run_scoped3A_270, %dma_start3A_272, %dma_start3A_273] : memref<2x640x64xf32, #tpu.memory_space<vmem>> -> memref<1x640x64xf32, #tpu.memory_space<vmem>>
        %dma_start3A_275 = tpu.memref_squeeze %dma_start3A_274 : memref<1x640x64xf32, #tpu.memory_space<vmem>> -> memref<640x64xf32, #tpu.memory_space<vmem>>
        %dma_start3A_276 = arith.constant 0 : i32
        %dma_start3A_277 = tpu.memref_slice %arg5[%add3A_269, %dma_start3A_276] : memref<819200x64xf32, #tpu.memory_space<hbm>> -> memref<640x64xf32, #tpu.memory_space<hbm>>
        %dma_start3A_278 = arith.constant 0 : i32
        %dma_start3A_279 = tpu.memref_slice %arg5[%add3A_269, %dma_start3A_278] : memref<819200x64xf32, #tpu.memory_space<hbm>> -> memref<640x64xf32, #tpu.memory_space<hbm>>
        %dma_start3A_280 = arith.constant 0 : i32
        %dma_start3A_281 = arith.constant 0 : i32
        %dma_start3A_282 = tpu.memref_slice %arg8[%run_scoped3A_270, %dma_start3A_280, %dma_start3A_281] : memref<2x640x64xf32, #tpu.memory_space<vmem>> -> memref<1x640x64xf32, #tpu.memory_space<vmem>>
        %dma_start3A_283 = tpu.memref_squeeze %dma_start3A_282 : memref<1x640x64xf32, #tpu.memory_space<vmem>> -> memref<640x64xf32, #tpu.memory_space<vmem>>
        tpu.enqueue_dma source(%dma_start3A_283 : memref<640x64xf32, #tpu.memory_space<vmem>>) target(%dma_start3A_279 : memref<640x64xf32, #tpu.memory_space<hbm>>) target_semaphore(%run_scoped3A_271 : memref<!tpu.dma_semaphore, #tpu.memory_space<semaphore_mem>>)
        %dma_wait3A_284 = arith.constant 0 : i32
        %dma_wait3A_285 = arith.constant 0 : i32
        %dma_wait3A_286 = tpu.memref_slice %arg8[%run_scoped3A_270, %dma_wait3A_284, %dma_wait3A_285] : memref<2x640x64xf32, #tpu.memory_space<vmem>> -> memref<1x640x64xf32, #tpu.memory_space<vmem>>
        %dma_wait3A_287 = tpu.memref_squeeze %dma_wait3A_286 : memref<1x640x64xf32, #tpu.memory_space<vmem>> -> memref<640x64xf32, #tpu.memory_space<vmem>>
        %dma_wait3A_288 = arith.constant 0 : i32
        %dma_wait3A_289 = tpu.memref_slice %arg5[%add3A_269, %dma_wait3A_288] : memref<819200x64xf32, #tpu.memory_space<hbm>> -> memref<640x64xf32, #tpu.memory_space<hbm>>
        %dma_wait3A_290 = arith.constant 0 : i32
        %dma_wait3A_291 = tpu.memref_slice %arg5[%add3A_269, %dma_wait3A_290] : memref<819200x64xf32, #tpu.memory_space<hbm>> -> memref<640x64xf32, #tpu.memory_space<hbm>>
        %dma_wait3A_292 = arith.constant 0 : i32
        %dma_wait3A_293 = arith.constant 0 : i32
        %dma_wait3A_294 = tpu.memref_slice %arg8[%run_scoped3A_270, %dma_wait3A_292, %dma_wait3A_293] : memref<2x640x64xf32, #tpu.memory_space<vmem>> -> memref<1x640x64xf32, #tpu.memory_space<vmem>>
        %dma_wait3A_295 = tpu.memref_squeeze %dma_wait3A_294 : memref<1x640x64xf32, #tpu.memory_space<vmem>> -> memref<640x64xf32, #tpu.memory_space<vmem>>
        tpu.wait_dma2 semaphore(%run_scoped3A_271 : memref<!tpu.dma_semaphore, #tpu.memory_space<semaphore_mem>>) src(%dma_wait3A_295 : memref<640x64xf32, #tpu.memory_space<vmem>>) dst(%dma_wait3A_291 : memref<640x64xf32, #tpu.memory_space<hbm>>)
        tpu.yield
      }) : () -> ()
    }
    %scan3A_17 = arith.constant 20 : i32
    "tpu.region"() ({
      %run_scoped3A = tpu.sem_alloc : memref<!tpu.dma_semaphore, #tpu.memory_space<semaphore_mem>>
      %dma_start3A_220 = tpu.memref_slice %arg3[%mul3A_4] : memref<4096xi32, #tpu.memory_space<hbm>> -> memref<128xi32, #tpu.memory_space<hbm>>
      %dma_start3A_221 = tpu.memref_slice %arg3[%mul3A_4] : memref<4096xi32, #tpu.memory_space<hbm>> -> memref<128xi32, #tpu.memory_space<hbm>>
      tpu.enqueue_dma source(%dma_start3A_221 : memref<128xi32, #tpu.memory_space<hbm>>) target(%arg9 : memref<128xi32, #tpu.memory_space<vmem>>) target_semaphore(%run_scoped3A : memref<!tpu.dma_semaphore, #tpu.memory_space<semaphore_mem>>)
      %dma_wait3A_222 = tpu.memref_slice %arg3[%mul3A_4] : memref<4096xi32, #tpu.memory_space<hbm>> -> memref<128xi32, #tpu.memory_space<hbm>>
      %dma_wait3A_223 = tpu.memref_slice %arg3[%mul3A_4] : memref<4096xi32, #tpu.memory_space<hbm>> -> memref<128xi32, #tpu.memory_space<hbm>>
      tpu.wait_dma2 semaphore(%run_scoped3A : memref<!tpu.dma_semaphore, #tpu.memory_space<semaphore_mem>>) src(%dma_wait3A_223 : memref<128xi32, #tpu.memory_space<hbm>>) dst(%arg9 : memref<128xi32, #tpu.memory_space<vmem>>)
      tpu.yield
    }) : () -> ()
    %get3A = arith.constant 0 : index
    %get3A_18 = tpu.vector_load %arg9[%get3A] {strides = array<i32>} : memref<128xi32, #tpu.memory_space<vmem>>, vector<16xi32>,
    %get3A_19 = vector.shape_cast %get3A_18 : vector<16xi32> to vector<16xi32>
    %sub3A = arith.constant 1 : i32
    %sub3A_20 = vector.broadcast %sub3A : i32 to vector<16xi32>
    %sub3A_21 = arith.subi %get3A_19, %sub3A_20 : vector<16xi32>
    %jit3A = arith.constant 0 : i32
    %jit3A_22 = arith.constant 199 : i32
    %max3A = vector.broadcast %jit3A : i32 to vector<16xi32>
    %max3A_23 = arith.maxsi %max3A, %sub3A_21 : vector<16xi32>
    %min3A = vector.broadcast %jit3A_22 : i32 to vector<16xi32>
    %min3A_24 = arith.minsi %min3A, %max3A_23 : vector<16xi32>
    %iota3A = tpu.iota {dimensions = array<i32: 0>} : vector<16xi32>
    %add3A_25 = arith.constant 0 : i32
    %add3A_26 = arith.addi %mul3A_4, %add3A_25 : i32
    %add3A_27 = vector.broadcast %add3A_26 : i32 to vector<16xi32>
    %add3A_28 = arith.addi %iota3A, %add3A_27 : vector<16xi32>
    %mul3A_29 = arith.constant 200 : i32
    %mul3A_30 = vector.broadcast %mul3A_29 : i32 to vector<16xi32>
    %mul3A_31 = arith.muli %add3A_28, %mul3A_30 : vector<16xi32>
    %add3A_32 = arith.addi %mul3A_31, %min3A_24 : vector<16xi32>
    %swap3A = arith.constant 0 : index
    %swap3A_33 = tpu.vector_load %arg10[%swap3A] {strides = array<i32>} : memref<128xi32, #tpu.memory_space<vmem>>, vector<16xi32>,
    %swap3A_34 = vector.shape_cast %swap3A_33 : vector<16xi32> to vector<16xi32>
    %swap3A_35 = vector.shape_cast %add3A_32 : vector<16xi32> to vector<16xi32>
    tpu.vector_store %arg10[%swap3A], %swap3A_35 {strides = array<i32>} : memref<128xi32, #tpu.memory_space<vmem>>, vector<16xi32>,
    %get3A_36 = arith.constant 16 : index
    %get3A_37 = tpu.vector_load %arg9[%get3A_36] {strides = array<i32>} : memref<128xi32, #tpu.memory_space<vmem>>, vector<16xi32>,
    %get3A_38 = vector.shape_cast %get3A_37 : vector<16xi32> to vector<16xi32>
    %sub3A_39 = arith.constant 1 : i32
    %sub3A_40 = vector.broadcast %sub3A_39 : i32 to vector<16xi32>
    %sub3A_41 = arith.subi %get3A_38, %sub3A_40 : vector<16xi32>
    %jit3A_42 = arith.constant 0 : i32
    %jit3A_43 = arith.constant 199 : i32
    %max3A_44 = vector.broadcast %jit3A_42 : i32 to vector<16xi32>
    %max3A_45 = arith.maxsi %max3A_44, %sub3A_41 : vector<16xi32>
    %min3A_46 = vector.broadcast %jit3A_43 : i32 to vector<16xi32>
    %min3A_47 = arith.minsi %min3A_46, %max3A_45 : vector<16xi32>
    %iota3A_48 = tpu.iota {dimensions = array<i32: 0>} : vector<16xi32>
    %add3A_49 = arith.constant 16 : i32
    %add3A_50 = arith.addi %mul3A_4, %add3A_49 : i32
    %add3A_51 = vector.broadcast %add3A_50 : i32 to vector<16xi32>
    %add3A_52 = arith.addi %iota3A_48, %add3A_51 : vector<16xi32>
    %mul3A_53 = arith.constant 200 : i32
    %mul3A_54 = vector.broadcast %mul3A_53 : i32 to vector<16xi32>
    %mul3A_55 = arith.muli %add3A_52, %mul3A_54 : vector<16xi32>
    %add3A_56 = arith.addi %mul3A_55, %min3A_47 : vector<16xi32>
    %swap3A_57 = arith.constant 16 : index
    %swap3A_58 = tpu.vector_load %arg10[%swap3A_57] {strides = array<i32>} : memref<128xi32, #tpu.memory_space<vmem>>, vector<16xi32>,
    %swap3A_59 = vector.shape_cast %swap3A_58 : vector<16xi32> to vector<16xi32>
    %swap3A_60 = vector.shape_cast %add3A_56 : vector<16xi32> to vector<16xi32>
    tpu.vector_store %arg10[%swap3A_57], %swap3A_60 {strides = array<i32>} : memref<128xi32, #tpu.memory_space<vmem>>, vector<16xi32>,
    %get3A_61 = arith.constant 32 : index
    %get3A_62 = tpu.vector_load %arg9[%get3A_61] {strides = array<i32>} : memref<128xi32, #tpu.memory_space<vmem>>, vector<16xi32>,
    %get3A_63 = vector.shape_cast %get3A_62 : vector<16xi32> to vector<16xi32>
    %sub3A_64 = arith.constant 1 : i32
    %sub3A_65 = vector.broadcast %sub3A_64 : i32 to vector<16xi32>
    %sub3A_66 = arith.subi %get3A_63, %sub3A_65 : vector<16xi32>
    %jit3A_67 = arith.constant 0 : i32
    %jit3A_68 = arith.constant 199 : i32
    %max3A_69 = vector.broadcast %jit3A_67 : i32 to vector<16xi32>
    %max3A_70 = arith.maxsi %max3A_69, %sub3A_66 : vector<16xi32>
    %min3A_71 = vector.broadcast %jit3A_68 : i32 to vector<16xi32>
    %min3A_72 = arith.minsi %min3A_71, %max3A_70 : vector<16xi32>
    %iota3A_73 = tpu.iota {dimensions = array<i32: 0>} : vector<16xi32>
    %add3A_74 = arith.constant 32 : i32
    %add3A_75 = arith.addi %mul3A_4, %add3A_74 : i32
    %add3A_76 = vector.broadcast %add3A_75 : i32 to vector<16xi32>
    %add3A_77 = arith.addi %iota3A_73, %add3A_76 : vector<16xi32>
    %mul3A_78 = arith.constant 200 : i32
    %mul3A_79 = vector.broadcast %mul3A_78 : i32 to vector<16xi32>
    %mul3A_80 = arith.muli %add3A_77, %mul3A_79 : vector<16xi32>
    %add3A_81 = arith.addi %mul3A_80, %min3A_72 : vector<16xi32>
    %swap3A_82 = arith.constant 32 : index
    %swap3A_83 = tpu.vector_load %arg10[%swap3A_82] {strides = array<i32>} : memref<128xi32, #tpu.memory_space<vmem>>, vector<16xi32>,
    %swap3A_84 = vector.shape_cast %swap3A_83 : vector<16xi32> to vector<16xi32>
    %swap3A_85 = vector.shape_cast %add3A_81 : vector<16xi32> to vector<16xi32>
    tpu.vector_store %arg10[%swap3A_82], %swap3A_85 {strides = array<i32>} : memref<128xi32, #tpu.memory_space<vmem>>, vector<16xi32>,
    %get3A_86 = arith.constant 48 : index
    %get3A_87 = tpu.vector_load %arg9[%get3A_86] {strides = array<i32>} : memref<128xi32, #tpu.memory_space<vmem>>, vector<16xi32>,
    %get3A_88 = vector.shape_cast %get3A_87 : vector<16xi32> to vector<16xi32>
    %sub3A_89 = arith.constant 1 : i32
    %sub3A_90 = vector.broadcast %sub3A_89 : i32 to vector<16xi32>
    %sub3A_91 = arith.subi %get3A_88, %sub3A_90 : vector<16xi32>
    %jit3A_92 = arith.constant 0 : i32
    %jit3A_93 = arith.constant 199 : i32
    %max3A_94 = vector.broadcast %jit3A_92 : i32 to vector<16xi32>
    %max3A_95 = arith.maxsi %max3A_94, %sub3A_91 : vector<16xi32>
    %min3A_96 = vector.broadcast %jit3A_93 : i32 to vector<16xi32>
    %min3A_97 = arith.minsi %min3A_96, %max3A_95 : vector<16xi32>
    %iota3A_98 = tpu.iota {dimensions = array<i32: 0>} : vector<16xi32>
    %add3A_99 = arith.constant 48 : i32
    %add3A_100 = arith.addi %mul3A_4, %add3A_99 : i32
    %add3A_101 = vector.broadcast %add3A_100 : i32 to vector<16xi32>
    %add3A_102 = arith.addi %iota3A_98, %add3A_101 : vector<16xi32>
    %mul3A_103 = arith.constant 200 : i32
    %mul3A_104 = vector.broadcast %mul3A_103 : i32 to vector<16xi32>
    %mul3A_105 = arith.muli %add3A_102, %mul3A_104 : vector<16xi32>
    %add3A_106 = arith.addi %mul3A_105, %min3A_97 : vector<16xi32>
    %swap3A_107 = arith.constant 48 : index
    %swap3A_108 = tpu.vector_load %arg10[%swap3A_107] {strides = array<i32>} : memref<128xi32, #tpu.memory_space<vmem>>, vector<16xi32>,
    %swap3A_109 = vector.shape_cast %swap3A_108 : vector<16xi32> to vector<16xi32>
    %swap3A_110 = vector.shape_cast %add3A_106 : vector<16xi32> to vector<16xi32>
    tpu.vector_store %arg10[%swap3A_107], %swap3A_110 {strides = array<i32>} : memref<128xi32, #tpu.memory_space<vmem>>, vector<16xi32>,
    %get3A_111 = arith.constant 64 : index
    %get3A_112 = tpu.vector_load %arg9[%get3A_111] {strides = array<i32>} : memref<128xi32, #tpu.memory_space<vmem>>, vector<16xi32>,
    %get3A_113 = vector.shape_cast %get3A_112 : vector<16xi32> to vector<16xi32>
    %sub3A_114 = arith.constant 1 : i32
    %sub3A_115 = vector.broadcast %sub3A_114 : i32 to vector<16xi32>
    %sub3A_116 = arith.subi %get3A_113, %sub3A_115 : vector<16xi32>
    %jit3A_117 = arith.constant 0 : i32
    %jit3A_118 = arith.constant 199 : i32
    %max3A_119 = vector.broadcast %jit3A_117 : i32 to vector<16xi32>
    %max3A_120 = arith.maxsi %max3A_119, %sub3A_116 : vector<16xi32>
    %min3A_121 = vector.broadcast %jit3A_118 : i32 to vector<16xi32>
    %min3A_122 = arith.minsi %min3A_121, %max3A_120 : vector<16xi32>
    %iota3A_123 = tpu.iota {dimensions = array<i32: 0>} : vector<16xi32>
    %add3A_124 = arith.constant 64 : i32
    %add3A_125 = arith.addi %mul3A_4, %add3A_124 : i32
    %add3A_126 = vector.broadcast %add3A_125 : i32 to vector<16xi32>
    %add3A_127 = arith.addi %iota3A_123, %add3A_126 : vector<16xi32>
    %mul3A_128 = arith.constant 200 : i32
    %mul3A_129 = vector.broadcast %mul3A_128 : i32 to vector<16xi32>
    %mul3A_130 = arith.muli %add3A_127, %mul3A_129 : vector<16xi32>
    %add3A_131 = arith.addi %mul3A_130, %min3A_122 : vector<16xi32>
    %swap3A_132 = arith.constant 64 : index
    %swap3A_133 = tpu.vector_load %arg10[%swap3A_132] {strides = array<i32>} : memref<128xi32, #tpu.memory_space<vmem>>, vector<16xi32>,
    %swap3A_134 = vector.shape_cast %swap3A_133 : vector<16xi32> to vector<16xi32>
    %swap3A_135 = vector.shape_cast %add3A_131 : vector<16xi32> to vector<16xi32>
    tpu.vector_store %arg10[%swap3A_132], %swap3A_135 {strides = array<i32>} : memref<128xi32, #tpu.memory_space<vmem>>, vector<16xi32>,
    %get3A_136 = arith.constant 80 : index
    %get3A_137 = tpu.vector_load %arg9[%get3A_136] {strides = array<i32>} : memref<128xi32, #tpu.memory_space<vmem>>, vector<16xi32>,
    %get3A_138 = vector.shape_cast %get3A_137 : vector<16xi32> to vector<16xi32>
    %sub3A_139 = arith.constant 1 : i32
    %sub3A_140 = vector.broadcast %sub3A_139 : i32 to vector<16xi32>
    %sub3A_141 = arith.subi %get3A_138, %sub3A_140 : vector<16xi32>
    %jit3A_142 = arith.constant 0 : i32
    %jit3A_143 = arith.constant 199 : i32
    %max3A_144 = vector.broadcast %jit3A_142 : i32 to vector<16xi32>
    %max3A_145 = arith.maxsi %max3A_144, %sub3A_141 : vector<16xi32>
    %min3A_146 = vector.broadcast %jit3A_143 : i32 to vector<16xi32>
    %min3A_147 = arith.minsi %min3A_146, %max3A_145 : vector<16xi32>
    %iota3A_148 = tpu.iota {dimensions = array<i32: 0>} : vector<16xi32>
    %add3A_149 = arith.constant 80 : i32
    %add3A_150 = arith.addi %mul3A_4, %add3A_149 : i32
    %add3A_151 = vector.broadcast %add3A_150 : i32 to vector<16xi32>
    %add3A_152 = arith.addi %iota3A_148, %add3A_151 : vector<16xi32>
    %mul3A_153 = arith.constant 200 : i32
    %mul3A_154 = vector.broadcast %mul3A_153 : i32 to vector<16xi32>
    %mul3A_155 = arith.muli %add3A_152, %mul3A_154 : vector<16xi32>
    %add3A_156 = arith.addi %mul3A_155, %min3A_147 : vector<16xi32>
    %swap3A_157 = arith.constant 80 : index
    %swap3A_158 = tpu.vector_load %arg10[%swap3A_157] {strides = array<i32>} : memref<128xi32, #tpu.memory_space<vmem>>, vector<16xi32>,
    %swap3A_159 = vector.shape_cast %swap3A_158 : vector<16xi32> to vector<16xi32>
    %swap3A_160 = vector.shape_cast %add3A_156 : vector<16xi32> to vector<16xi32>
    tpu.vector_store %arg10[%swap3A_157], %swap3A_160 {strides = array<i32>} : memref<128xi32, #tpu.memory_space<vmem>>, vector<16xi32>,
    %get3A_161 = arith.constant 96 : index
    %get3A_162 = tpu.vector_load %arg9[%get3A_161] {strides = array<i32>} : memref<128xi32, #tpu.memory_space<vmem>>, vector<16xi32>,
    %get3A_163 = vector.shape_cast %get3A_162 : vector<16xi32> to vector<16xi32>
    %sub3A_164 = arith.constant 1 : i32
    %sub3A_165 = vector.broadcast %sub3A_164 : i32 to vector<16xi32>
    %sub3A_166 = arith.subi %get3A_163, %sub3A_165 : vector<16xi32>
    %jit3A_167 = arith.constant 0 : i32
    %jit3A_168 = arith.constant 199 : i32
    %max3A_169 = vector.broadcast %jit3A_167 : i32 to vector<16xi32>
    %max3A_170 = arith.maxsi %max3A_169, %sub3A_166 : vector<16xi32>
    %min3A_171 = vector.broadcast %jit3A_168 : i32 to vector<16xi32>
    %min3A_172 = arith.minsi %min3A_171, %max3A_170 : vector<16xi32>
    %iota3A_173 = tpu.iota {dimensions = array<i32: 0>} : vector<16xi32>
    %add3A_174 = arith.constant 96 : i32
    %add3A_175 = arith.addi %mul3A_4, %add3A_174 : i32
    %add3A_176 = vector.broadcast %add3A_175 : i32 to vector<16xi32>
    %add3A_177 = arith.addi %iota3A_173, %add3A_176 : vector<16xi32>
    %mul3A_178 = arith.constant 200 : i32
    %mul3A_179 = vector.broadcast %mul3A_178 : i32 to vector<16xi32>
    %mul3A_180 = arith.muli %add3A_177, %mul3A_179 : vector<16xi32>
    %add3A_181 = arith.addi %mul3A_180, %min3A_172 : vector<16xi32>
    %swap3A_182 = arith.constant 96 : index
    %swap3A_183 = tpu.vector_load %arg10[%swap3A_182] {strides = array<i32>} : memref<128xi32, #tpu.memory_space<vmem>>, vector<16xi32>,
    %swap3A_184 = vector.shape_cast %swap3A_183 : vector<16xi32> to vector<16xi32>
    %swap3A_185 = vector.shape_cast %add3A_181 : vector<16xi32> to vector<16xi32>
    tpu.vector_store %arg10[%swap3A_182], %swap3A_185 {strides = array<i32>} : memref<128xi32, #tpu.memory_space<vmem>>, vector<16xi32>,
    %get3A_186 = arith.constant 112 : index
    %get3A_187 = tpu.vector_load %arg9[%get3A_186] {strides = array<i32>} : memref<128xi32, #tpu.memory_space<vmem>>, vector<16xi32>,
    %get3A_188 = vector.shape_cast %get3A_187 : vector<16xi32> to vector<16xi32>
    %sub3A_189 = arith.constant 1 : i32
    %sub3A_190 = vector.broadcast %sub3A_189 : i32 to vector<16xi32>
    %sub3A_191 = arith.subi %get3A_188, %sub3A_190 : vector<16xi32>
    %jit3A_192 = arith.constant 0 : i32
    %jit3A_193 = arith.constant 199 : i32
    %max3A_194 = vector.broadcast %jit3A_192 : i32 to vector<16xi32>
    %max3A_195 = arith.maxsi %max3A_194, %sub3A_191 : vector<16xi32>
    %min3A_196 = vector.broadcast %jit3A_193 : i32 to vector<16xi32>
    %min3A_197 = arith.minsi %min3A_196, %max3A_195 : vector<16xi32>
    %iota3A_198 = tpu.iota {dimensions = array<i32: 0>} : vector<16xi32>
    %add3A_199 = arith.constant 112 : i32
    %add3A_200 = arith.addi %mul3A_4, %add3A_199 : i32
    %add3A_201 = vector.broadcast %add3A_200 : i32 to vector<16xi32>
    %add3A_202 = arith.addi %iota3A_198, %add3A_201 : vector<16xi32>
    %mul3A_203 = arith.constant 200 : i32
    %mul3A_204 = vector.broadcast %mul3A_203 : i32 to vector<16xi32>
    %mul3A_205 = arith.muli %add3A_202, %mul3A_204 : vector<16xi32>
    %add3A_206 = arith.addi %mul3A_205, %min3A_197 : vector<16xi32>
    %swap3A_207 = arith.constant 112 : index
    %swap3A_208 = tpu.vector_load %arg10[%swap3A_207] {strides = array<i32>} : memref<128xi32, #tpu.memory_space<vmem>>, vector<16xi32>,
    %swap3A_209 = vector.shape_cast %swap3A_208 : vector<16xi32> to vector<16xi32>
    %swap3A_210 = vector.shape_cast %add3A_206 : vector<16xi32> to vector<16xi32>
    tpu.vector_store %arg10[%swap3A_207], %swap3A_210 {strides = array<i32>} : memref<128xi32, #tpu.memory_space<vmem>>, vector<16xi32>,
    %dma_start3A_211 = arith.constant 0 : i32
    %dma_start3A_212 = tpu.memref_slice %arg2[%dma_start3A_211] : memref<819200xi32, #tpu.memory_space<hbm>> -> memref<819200xi32, #tpu.memory_space<hbm>>
    tpu.enqueue_indirect_dma source(%dma_start3A_212 : memref<819200xi32, #tpu.memory_space<hbm>>) target(%arg11 : memref<128xi32, #tpu.memory_space<vmem>>) offsets(%arg10 : memref<128xi32, #tpu.memory_space<vmem>>) semaphore(%arg15 : memref<!tpu.dma_semaphore, #tpu.memory_space<semaphore_mem>>)
    %dma_wait3A = arith.constant 0 : i32
    %dma_wait3A_213 = tpu.memref_slice %arg2[%dma_wait3A] : memref<819200xi32, #tpu.memory_space<hbm>> -> memref<819200xi32, #tpu.memory_space<hbm>>
    tpu.wait_indirect_dma semaphore(%arg15 : memref<!tpu.dma_semaphore, #tpu.memory_space<semaphore_mem>>) src(%dma_wait3A_213 : memref<819200xi32, #tpu.memory_space<hbm>>) dst(%arg11 : memref<128xi32, #tpu.memory_space<vmem>>)
    %dma_start3A_214 = arith.constant 0 : i32
    %dma_start3A_215 = arith.constant 0 : i32
    %dma_start3A_216 = tpu.memref_slice %arg4[%dma_start3A_214, %dma_start3A_215] : memref<100000x64xf32, #tpu.memory_space<hbm>> -> memref<100000x64xf32, #tpu.memory_space<hbm>>
    tpu.enqueue_indirect_dma source(%dma_start3A_216 : memref<100000x64xf32, #tpu.memory_space<hbm>>) target(%arg12 : memref<128x64xf32, #tpu.memory_space<vmem>>) offsets(%arg11 : memref<128xi32, #tpu.memory_space<vmem>>) semaphore(%arg15 : memref<!tpu.dma_semaphore, #tpu.memory_space<semaphore_mem>>)
    %dma_wait3A_217 = arith.constant 0 : i32
    %dma_wait3A_218 = arith.constant 0 : i32
    %dma_wait3A_219 = tpu.memref_slice %arg4[%dma_wait3A_217, %dma_wait3A_218] : memref<100000x64xf32, #tpu.memory_space<hbm>> -> memref<100000x64xf32, #tpu.memory_space<hbm>>
    tpu.wait_indirect_dma semaphore(%arg15 : memref<!tpu.dma_semaphore, #tpu.memory_space<semaphore_mem>>) src(%dma_wait3A_219 : memref<100000x64xf32, #tpu.memory_space<hbm>>) dst(%arg12 : memref<128x64xf32, #tpu.memory_space<vmem>>)
    "tpu.region"() ({
      %run_scoped3A = tpu.sem_alloc : memref<!tpu.dma_semaphore, #tpu.memory_space<semaphore_mem>>
      %dma_start3A_220 = arith.constant 0 : i32
      %dma_start3A_221 = tpu.memref_slice %arg6[%mul3A_4, %dma_start3A_220] : memref<4096x64xf32, #tpu.memory_space<hbm>> -> memref<128x64xf32, #tpu.memory_space<hbm>>
      %dma_start3A_222 = arith.constant 0 : i32
      %dma_start3A_223 = tpu.memref_slice %arg6[%mul3A_4, %dma_start3A_222] : memref<4096x64xf32, #tpu.memory_space<hbm>> -> memref<128x64xf32, #tpu.memory_space<hbm>>
      tpu.enqueue_dma source(%arg12 : memref<128x64xf32, #tpu.memory_space<vmem>>) target(%dma_start3A_223 : memref<128x64xf32, #tpu.memory_space<hbm>>) target_semaphore(%run_scoped3A : memref<!tpu.dma_semaphore, #tpu.memory_space<semaphore_mem>>)
      %dma_wait3A_224 = arith.constant 0 : i32
      %dma_wait3A_225 = tpu.memref_slice %arg6[%mul3A_4, %dma_wait3A_224] : memref<4096x64xf32, #tpu.memory_space<hbm>> -> memref<128x64xf32, #tpu.memory_space<hbm>>
      %dma_wait3A_226 = arith.constant 0 : i32
      %dma_wait3A_227 = tpu.memref_slice %arg6[%mul3A_4, %dma_wait3A_226] : memref<4096x64xf32, #tpu.memory_space<hbm>> -> memref<128x64xf32, #tpu.memory_space<hbm>>
      tpu.wait_dma2 semaphore(%run_scoped3A : memref<!tpu.dma_semaphore, #tpu.memory_space<semaphore_mem>>) src(%arg12 : memref<128x64xf32, #tpu.memory_space<vmem>>) dst(%dma_wait3A_227 : memref<128x64xf32, #tpu.memory_space<hbm>>)
      tpu.yield
    }) : () -> ()
    return
  }
}

</mosaic_0001>

<sc_bundles>
// kernel: kernel.3.cloned.1.call-start
scs
__scs_entry_jumppad:
0x0: {  	(pc) =	sbr.rel $0x88, $3  }
0x1: {  	(tag) =	ssettag $0x0;
	lr =	simm.s32 $0x1  }
0x2: {  	[smem:$0x3F9E] =	sst lr;
	_ =	strace $0xD0000000  }
0x3: {  	_ = 	snop  }
0x4: {  	_ = 	snop  }
0x5: {  	_ = 	snop  }
0x6: {  	_ = 	snop  }
0x7: {  	_ = 	snop  }
__scs_overlays_trampoline_lowered:
0x8: {  	[smem:$0x3FAD] =	sst s0  }
0x9: {  	[smem:$0x3FAE] =	sst s1  }
0xa: {  	[smem:$0x3FAF] =	sst s2  }
0xb: {  	[smem:$0x3FB0] =	sst s3  }
0xc: {  	[smem:$0x3FB1] =	sst s4  }
0xd: {  	[smem:$0x3FB2] =	sst s5  }
0xe: {  	[smem:$0x3FB3] =	sst s6  }
0xf: {  	[smem:$0x3FB4] =	sst s7  }
0x10: {  	[smem:$0x3FB5] =	sst s8  }
0x11: {  	[smem:$0x3FB6] =	sst s9;
	s0 =	simm.s32 @!p0 $0x0  }
0x12: {  	s1 =	sld [smem:$0x3F9C];
	s0 =	simm.s32 @p0 $0x1  }
0x13: {  	[smem:$0x3FB7] =	sst s0;
	s0 =	simm.s32 @!p1 $0x0  }
0x14: {  	s2 =	sld [smem:$0x3F9B];
	s0 =	simm.s32 @p1 $0x1  }
0x15: {  	[smem:$0x3FB8] =	sst s0;
	s0 =	simm.s32 @!p2 $0x0  }
0x16: {  	s3 =	sld [smem:$0x3FDB];
	s0 =	simm.s32 @p2 $0x1  }
0x17: {  	s4 =	simm.s32 $0x1BF5;
	[smem:$0x3FBA] =	sst s0  }
0x18: {  	s0 =	sld [smem:$0x3F9D];
	_ =	swait.ge [sflag:s4], $0x0  }
0x19: {  	s7 =	sld [smem:$0x3F9E]  }
0x1a: {  	s8 =	sadd.s32 $0xFFFFE003, lr  }
0x1b: {  	s9 =	sadd.s32 $0xFFFFFEF7, lr;
	s5 =	simm.s32 $0xFFFFFFFF;
	p2 =	slt.u32 s8, $0xFFFFF086  }
0x1c: {  	p1 =	slt.u32 s9, $0xF7A;
	s5 =	simm.s32 @!p2 $0x0  }
0x1d: {  	s5 =	simm.s32 @p1 $0x1;
	p0 =	seq.s32 s7, s2  }
0x1e: {  	s7 =	smul.u32 @!p0 $0xF7A, s2;
	p2 =	seq.s32 @!p0 s5, $0x0  }
0x1f: {  	s9 =	smul.u32 $0xF7A, s1;
	s8 =	simm.s32 @!p0 $0x1BF5;
	p2 =	por !p2, p0  }
0x20: {  	[sflag:s8] =	ssyncset.s32 @!p0 $0xFFFFF086;
	s6 =	sadd.s32 @!p0 s3, s7;
	s7 =	simm.s32 @!p0 $0x108  }
0x21: {  	s3 =	sadd.s32 s3, s9;
	s6 =	sadd.s32 @!p0 $0x88, s6;
	s7 =	simm.s32 @p2 $0x1082  }
0x22: {  	[simem:s7], [sflag:s8] =	dma.local @!p0 [hbm:s6], $0xF7A  }
0x23: {  	s9 =	sor.u32 $0xD0000000, s2;
	s6 =	simm.s32 $0x108;
	_ =	swait.ge @!p0 [sflag:s8], $0x0  }
0x24: {  	s3 =	sadd.s32 $0x88, s3;
	s6 =	simm.s32 @!p1 $0x1082;
	[sflag:s4] =	ssyncset.s32 $0xFFFFF086  }
0x25: {  	[simem:s6], [sflag:s4] =	dma.local [hbm:s3], $0xF7A  }
0x26: {  	[smem:$0x3F9E] =	sst s1;
	(tag) =	ssettag s2;
	_ =	strace s9  }
0x27: {  	s1 =	sld [smem:$0x3FAE]  }
0x28: {  	s2 =	sld [smem:$0x3FAF]  }
0x29: {  	s4 =	sld [smem:$0x3FB1]  }
0x2a: {  	p0 =	seq.s32 s5, $0x0;
	s5 =	sld [smem:$0x3FB2]  }
0x2b: {  	s6 =	sld [smem:$0x3FB3]  }
0x2c: {  	s7 =	sld [smem:$0x3FB4]  }
0x2d: {  	s3 =	simm.s32 $0x108;
	s8 =	sld [smem:$0x3FB5]  }
0x2e: {  	s3 =	simm.s32 @!p0 $0x1082;
	s9 =	sld [smem:$0x3FB6]  }
0x2f: {  	lr =	sadd.s32 s0, s3;
	s0 =	sld [smem:$0x3FAD]  }
0x30: {  	s3 =	sld [smem:$0x3FB0]  }
0x31: {  	[smem:$0x3FB9] =	sst s10  }
0x32: {  	s10 =	sld [smem:$0x3FB7];
	_ =	sdelay $0x3  }
0x33: {  	p0 =	seq.s32 s10, $0x1;
	s10 =	sld [smem:$0x3FB9];
	_ =	sdelay $0x3  }
0x34: {  	[smem:$0x3FB9] =	sst s10  }
0x35: {  	s10 =	sld [smem:$0x3FB8];
	_ =	sdelay $0x3  }
0x36: {  	p1 =	seq.s32 s10, $0x1;
	s10 =	sld [smem:$0x3FB9];
	_ =	sdelay $0x3  }
0x37: {  	[smem:$0x3FB9] =	sst s10  }
0x38: {  	s10 =	sld [smem:$0x3FBA]  }
0x39: {  	_ = 	snop;
	(pc) =	sbr.ind lr, $3  }
0x3a: {  	_ = 	snop  }
0x3b: {  	_ = 	snop  }
0x3c: {  	p2 =	seq.s32 s10, $0x1;
	s10 =	sld [smem:$0x3FB9]  }
0x3d: {  	_ =	shalt  }
0x3e: {  	_ =	shalt  }
0x3f: {  	_ =	shalt  }
0x40: {  	_ =	shalt  }
0x41: {  	_ =	shalt  }
0x42: {  	_ =	shalt  }
0x43: {  	_ =	shalt  }
0x44: {  	_ =	shalt  }
0x45: {  	_ =	shalt  }
0x46: {  	_ =	shalt  }
0x47: {  	_ =	shalt  }
0x48: {  	_ =	shalt  }
0x49: {  	_ =	shalt  }
0x4a: {  	_ =	shalt  }
0x4b: {  	_ =	shalt  }
0x4c: {  	_ =	shalt  }
0x4d: {  	_ =	shalt  }
0x4e: {  	_ =	shalt  }
0x4f: {  	_ =	shalt  }
0x50: {  	_ =	shalt  }
0x51: {  	_ =	shalt  }
0x52: {  	_ =	shalt  }
0x53: {  	_ =	shalt  }
0x54: {  	_ =	shalt  }
0x55: {  	_ =	shalt  }
0x56: {  	_ =	shalt  }
0x57: {  	_ =	shalt  }
0x58: {  	_ =	shalt  }
0x59: {  	_ =	shalt  }
0x5a: {  	_ =	shalt  }
0x5b: {  	_ =	shalt  }
0x5c: {  	_ =	shalt  }
0x5d: {  	_ =	shalt  }
0x5e: {  	_ =	shalt  }
0x5f: {  	_ =	shalt  }
0x60: {  	_ =	shalt  }
0x61: {  	_ =	shalt  }
0x62: {  	_ =	shalt  }
0x63: {  	_ =	shalt  }
0x64: {  	_ =	shalt  }
0x65: {  	_ =	shalt  }
0x66: {  	_ =	shalt  }
0x67: {  	_ =	shalt  }
0x68: {  	_ =	shalt  }
0x69: {  	_ =	shalt  }
0x6a: {  	_ =	shalt  }
0x6b: {  	_ =	shalt  }
0x6c: {  	_ =	shalt  }
0x6d: {  	_ =	shalt  }
0x6e: {  	_ =	shalt  }
0x6f: {  	_ =	shalt  }
0x70: {  	_ =	shalt  }
0x71: {  	_ =	shalt  }
0x72: {  	_ =	shalt  }
0x73: {  	_ =	shalt  }
0x74: {  	_ =	shalt  }
0x75: {  	_ =	shalt  }
0x76: {  	_ =	shalt  }
0x77: {  	_ =	shalt  }
0x78: {  	_ =	shalt  }
0x79: {  	_ =	shalt  }
0x7a: {  	_ =	shalt  }
0x7b: {  	_ =	shalt  }
0x7c: {  	_ =	shalt  }
0x7d: {  	_ =	shalt  }
0x7e: {  	_ =	shalt  }
0x7f: {  	_ =	shalt  }
0x80: {  	_ =	shalt  }
0x81: {  	_ =	shalt  }
0x82: {  	_ =	shalt  }
0x83: {  	_ =	shalt  }
0x84: {  	_ =	shalt  }
0x85: {  	_ =	shalt  }
0x86: {  	_ =	shalt  }
0x87: {  	_ =	shalt  }
.Lfunc_end0:
.L_simem_size_0:
called_computation.1_lowered:
.L_overlay_start_0:
0x88: {  	s2 =	sld [smem:$0x3FD9]  }
0x89: {  	s3 =	sld [smem:$0x3FFE];
	_ =	sdelay $0x1  }
0x8a: {  	s1 =	srdreg.scid  }
0x8b: {  	s0 =	sand.u32 $0x1, s1  }
0x8c: {  	s14 =	sshll.u32 s0, $0xA;
	s2 =	sadd.s32 s3, s2  }
0x8d: {  	s2 =	sadd.s32 s2, s14  }
0x8e: {  	[smem:$0x3FC5] =	sst s2  }
0x8f: {  	_ = 	snop  }
0x90: {  	s2 =	sld [smem:$0x3FD0];
	_ =	sdelay $0x2  }
0x91: {  	s4 =	simm.s32 $0xA;
	s5 =	simm.s32 $0x10;
	s15 =	sld [smem:$0x3FC8]  }
0x92: {  	[smem:s5], [sflag:s4] =	dma.local [hbm:s2], $0x1  }
0x93: {  	_ =	swait.eq [sflag:s4], $0x1  }
0x94: {  	[sflag:s4] =	ssyncset.done $0x0  }
0x95: {  	s16 =	sld [smem:$0x10];
	[sflag:s4] =	ssyncadd.s32 $0xFFFFFFFF  }
0x96: {  	s17 =	sld [smem:$0x11];
	(tm) =	ssettm $0x1  }
0x97: {  	s18 =	sld [smem:$0x3FFB];
	_ =	sdelay $0x3  }
0x98: {  	_ =	strace s18  }
0x99: {  	s5 =	sld [smem:$0x3FFC];
	_ =	sdelay $0x3  }
0x9a: {  	_ =	strace s5  }
0x9b: {  	s5 =	sld [smem:$0x3FFD];
	_ =	sdelay $0x3  }
0x9c: {  	_ =	strace s5  }
0x9d: {  	_ =	strace $0x8FFFFFFF  }
0x9e: {  	s19 =	sld [smem:$0x3FDB];
	_ =	sdelay $0x1  }
0x9f: {  	s6 =	simm.s32 $_scs_section_size  }
0xa0: {  	s7 =	simm.s32 $_size__tile_overlayer_lowered;
	s8 =	simm.s32 $_tile_overlayer_lowered  }
0xa1: {  	s22 =	simm.s32 $0x1BFF;
	s21 =	sshll.u32 s8, $0x1;
	s5 =	sadd.s32 s6, s19  }
0xa2: {  	s9 =	simm.s32 $0x0;
	s20 =	sshll.u32 s7, $0x1;
	s7 =	sadd.s32 s21, s5  }
0xa3: {  	[timem:s9], [sflag:s22] =	dma.local [hbm:s7], s20  }
0xa4: {  	_ =	swait.ge [sflag:s22], s20  }
0xa5: {  	s6 =	ssub.s32 $0x0, s20;
	[sflag:s22] =	ssyncset.done $0x0  }
0xa6: {  	[sflag:s22] =	ssyncadd.s32 s6;
	_ =	sdelay $0x1  }
0xa7: {  	s23 =	simm.s32 $0x1B8B  }
0xa8: {  	_ =	swait.ge [sflag:s23], $0x1  }
0xa9: {  	[sflag:s23] =	ssyncset.done $0x0  }
0xaa: {  	s25 =	simm.s32 $0x1B8E;
	s24 =	sld [smem:$0x3FFE];
	[sflag:s23] =	ssyncadd.s32 $0xFFFFFFFF  }
0xab: {  	s26 =	simm.s32 $execute0_lowered;
	[smem:$0x3FD2] =	sst s25  }
0xac: {  	s7 =	sshll.u32 s26, $0x1;
	_ =	strace $0x80000046;
	[dreg:$0x1] =	wrdreg $0xFFFFFFFF  }
0xad: {  	s28 =	simm.s32 $_size_execute0_lowered;
	s5 =	sadd.s32 s5, s7;
	[dreg:$0x0] =	wrdreg $0x0  }
0xae: {  	s7 =	sshll.u32 s28, $0x1;
	[dreg:$0x2] =	wrdreg s5  }
0xaf: {  	[dreg:$0x3] =	wrdreg s7  }
0xb0: {  	[dreg:$0x4] =	wrdreg $0xC0  }
0xb1: {  	_ =	task [dreg:s9], $0x5FFFF  }
0xb2: {  	[dreg:$0x1] =	wrdreg $0xFFFFFFFF  }
0xb3: {  	[dreg:$0x0] =	wrdreg $0x60  }
0xb4: {  	[dreg:$0x2] =	wrdreg s24  }
0xb5: {  	[dreg:$0x3] =	wrdreg s15  }
0xb6: {  	[dreg:$0x4] =	wrdreg s16  }
0xb7: {  	[dreg:$0x5] =	wrdreg s17  }
0xb8: {  	[dreg:$0x6] =	wrdreg $0x9  }
0xb9: {  	_ =	task.clear_ibuf [dreg:s9], $0x7FFFF;
	_ =	strace $0x90000046  }
0xba: {  	s29 =	simm.s32 $0x9;
	_ =	strace $0x80000048  }
0xbb: {  	_ =	swait.ge [sflag:s29], $0x1  }
0xbc: {  	[sflag:s29] =	ssyncadd.s32 $0xFFFFFFFF  }
0xbd: {  	_ =	strace $0x90000048  }
0xbe: {  	_ =	sfence  }
0xbf: {  	s30 =	sld [smem:$0x0];
	_ =	sdelay $0x2  }
0xc0: {  	s31 =	sshll.u32 s1, $0xD;
	s1 =	sshrl.u32 s1, $0x2  }
0xc1: {  	s3 =	sand.u32 $0x4000, s31;
	s1 =	sadd.s32 s1, s30  }
0xc2: {  	s0 =	sor.u32 s3, s0;
	s1 =	sshll.u32 s1, $0x11  }
0xc3: {  	s0 =	sor.u32 s1, s0  }
0xc4: {  	s0 =	sadd.s32 $0x8F2B, s0  }
0xc5: {  	[sflag:s0] =	ssyncadd.remote.s32 $0x1  }
0xc6: {  	_ =	sfence.sel $0xFFFF  }
0xc7: {  	[dreg:$0x0] =	wrdreg $0xFFFFFFFF;
	(pc) =	sbr.abs _section_cstart, $3  }
0xc8: {  	[dreg:$0x1] =	wrdreg $0xFFFFFFFF  }
0xc9: {  	_ =	task.clear_ibuf [dreg:s9], $0x2FFFF;
	_ =	strace $0x9FFFFFFF  }
0xca: {  	(tm) =	ssettm $0x7FFFFFFF  }
0xcb: {  	_ =	shalt  }
tec
execute0_lowered:
.L_overlay_start_1:
0x0: {  	(tag) =	ssettag $0x1  }
0x1: {  	s4 =	rddreg [dreg:$0x0]  }
0x2: {  	s6 =	rddreg [dreg:$0x1]  }
0x3: {  	s12 =	rddreg [dreg:$0x2]  }
0x4: {  	s1 =	srdreg.scid;
	s0 =	stileid.u32  }
0x5: {  	s7 =	rddreg [dreg:$0x3];
	s2 =	simm.s32 $0x0;
	s20 =	simm.s32 $0x1A400  }
0x6: {  	s9 =	sand.u32 $0x1, s1;
	s1 =	rddreg [dreg:$0x4];
	s18 =	smul.u32 $0xC800, s0  }
0x7: {  	s3 =	sshll.u32 s0, $0x1;
	[smem:$0x7FF] =	sst s2;
	s26 =	smul.u32 $0x64000, s0  }
0x8: {  	s8 =	sor.u32 s9, s3;
	s5 =	ssub.s32 $0x2, s9;
	s19 =	smul.u32 $0x6400, s9  }
0x9: {  	_ =	strace $0x80000047;
	s3 =	sadd.s32 $0xE00, s4;
	s29 =	smul.u32 $0x32000, s9  }
0xa: {  	s4 =	sadd.s32 $0x19E00, s4;
	s10 =	smul.u32 $0x6400, s8;
	s11 =	sshrl.u32 s5, $0x1  }
0xb: {  	s22 =	sshll.u32 s8, $0x7;
	s13 =	sshll.u32 s8, $0x4;
	s16 =	smul.u32 $0x32000, s8  }
0xc: {  	v3 =	vlaneseq.u32;
	s8 =	sshll.u32 s8, $0xA;
	s11 =	ssub.s32 s5, s11;
	s23 =	sor.u32 $0x10, s22;
	v0 =	vmov s22  }
0xd: {  	v7 =	vmul.u32 $0xC8, v3;
	s14 =	sor.u32 $0x20, s22;
	s24 =	sor.u32 $0x30, s22;
	s15 =	sor.u32 $0x40, s22;
	v1 =	vmov s23;
	v0 =	vmul.u32 $0xC8, v0  }
0xe: {  	s6 =	sadd.s32 s6, s13;
	s25 =	sor.u32 $0x50, s22;
	s17 =	sor.u32 $0x60, s22;
	v2 =	vmov s14;
	v3 =	vmov s24;
	v4 =	vmov s15  }
0xf: {  	s7 =	sadd.s32 s7, s8;
	s30 =	sadd.s32 s19, s18;
	s13 =	simm.s32 $0x4;
	v5 =	vmov s25;
	v6 =	vmov s17;
	v1 =	vmul.u32 $0xC8, v1  }
0x10: {  	s18 =	simm.s32 $0x2;
	s21 =	sshrl.u32 s10, $0x3;
	s10 =	sor.u32 $0x70, s22;
	v2 =	vmul.u32 $0xC8, v2;
	v3 =	vmul.u32 $0xC8, v3;
	v4 =	vmul.u32 $0xC8, v4  }
0x11: {  	s19 =	simm.s32 $0x6180;
	s8 =	smax.u32 s11, $0x1;
	s28 =	sadd.s32 s12, s16;
	v5 =	vmul.u32 $0xC8, v5;
	v8 =	vmov s10;
	v0 =	vbroadcast v0, $0x0  }
0x12: {  	s11 =	sadd.s32 s26, s12;
	s31 =	sshll.u32 s30, $0x3;
	s14 =	simm.s32 $0x6400;
	v6 =	vmul.u32 $0xC8, v6;
	v1 =	vbroadcast v1, $0x0;
	v2 =	vbroadcast v2, $0x0  }
0x13: {  	s15 =	simm.s32 $0x1;
	s16 =	simm.s32 $0x280;
	s17 =	simm.s32 $0x10400;
	v8 =	vmul.u32 $0xC8, v8;
	v3 =	vbroadcast v3, $0x0;
	v4 =	vbroadcast v4, $0x0  }
0x14: {  	s22 =	simm.s32 $0x1A480;
	s23 =	simm.s32 $0x1A500;
	s24 =	simm.s32 $0x3;
	v5 =	vbroadcast v5, $0x0;
	v6 =	vbroadcast v6, $0x0  }
0x15: {  	s25 =	simm.s32 $0x1A580;
	s26 =	simm.s32 $0x0;
	s5 =	sadd.s32 s3, s21;
	v0 =	vadd.s32 v7, v0;
	v8 =	vbroadcast v8, $0x0;
	v1 =	vadd.s32 v7, v1  }
0x16: {  	s9 =	sadd.s32 $0x2F800, s28;
	s10 =	sadd.s32 $0x30C00, s28;
	s12 =	sadd.s32 s31, s12;
	v2 =	vadd.s32 v7, v2;
	v3 =	vadd.s32 v7, v3;
	v4 =	vadd.s32 v7, v4  }
0x17: {  	s11 =	sadd.s32 s29, s11;
	s21 =	simm.s32 $0x80;
	s12 =	sadd.s32 $0x1400, s12;
	v5 =	vadd.s32 v7, v5;
	v6 =	vadd.s32 v7, v6;
	v7 =	vadd.s32 v7, v8  }
.LBB2_1:
0x18: {  	[tilespmem:s2], [sflag:$0x4] =	stream.linear.gather [hbm4b:s5+s2], $0x6400, $0x38;
	[tilespmem:$0x1C580] =	vst v63  }
0x19: {  	_ =	swait.ge [sflag:s13], $0x6400  }
0x1a: {  	[sflag:s13] =	ssyncset.done $0x0  }
0x1b: {  	[sflag:s13] =	ssyncadd.s32 $0xFFFF9C00  }
0x1c: {  	[tilespmem:s14], [sflag:$0x1] =	stream.indirect.gather [hbm4b:s4+s16], $0x40, s2, s16, $0xb8;
	[tilespmem:$0x1C580] =	vst v63  }
0x1d: {  	_ =	swait.ge [sflag:s15], $0xA000  }
0x1e: {  	[sflag:s15] =	ssyncset.done $0x0  }
0x1f: {  	[sflag:s15] =	ssyncadd.s32 $0xFFFF6000  }
0x20: {  	[tilespmem:s17], [sflag:$0x2] =	stream.indirect.gather [hbm4b:s4+s16], $0x40, s16, s16, $0xb8;
	[tilespmem:$0x1C580] =	vst v63  }
0x21: {  	s28 =	sadd.s32 $0x0, s11  }
0x22: {  	[hbm4b:s28+s2] =	stream.linear.scatter [tilespmem:s14], [sflag:$0x4], $0xA000, $0x38;
	[tilespmem:$0x1C580] =	vst v63  }
0x23: {  	_ =	swait.ge [sflag:s13], $0xA000  }
0x24: {  	[sflag:s13] =	ssyncset.done $0x0  }
0x25: {  	[sflag:s13] =	ssyncadd.s32 $0xFFFF6000  }
0x26: {  	_ =	swait.ge [sflag:s18], $0xA000  }
0x27: {  	[sflag:s18] =	ssyncset.done $0x0  }
0x28: {  	s28 =	simm.s32 $0x500;
	[sflag:s18] =	ssyncadd.s32 $0xFFFF6000  }
0x29: {  	[tilespmem:s14], [sflag:$0x1] =	stream.indirect.gather [hbm4b:s4+s16], $0x40, s28, s16, $0xb8;
	[tilespmem:$0x1C580] =	vst v63  }
0x2a: {  	s28 =	sadd.s32 $0x0, s12  }
0x2b: {  	[hbm4b:s28+s2] =	stream.linear.scatter [tilespmem:s17], [sflag:$0x4], $0xA000, $0x38;
	[tilespmem:$0x1C580] =	vst v63  }
0x2c: {  	_ =	swait.ge [sflag:s13], $0xA000  }
0x2d: {  	s29 =	simm.s32 $0x280;
	s28 =	simm.s32 $0x2800;
	[sflag:s13] =	ssyncset.done $0x0  }
.LBB2_2:
0x2e: {  	p0 =	sne.s32 s28, $0x2D000;
	[sflag:s13] =	ssyncadd.s32 $0xFFFF6000;
	s29 =	sadd.s32 $0x500, s29  }
0x2f: {  	s30 =	smov.u32 s28;
	s28 =	sadd.s32 $0x2800, s28  }
0x30: {  	_ =	swait.ge [sflag:s15], $0xA000  }
0x31: {  	[sflag:s15] =	ssyncset.done $0x0  }
0x32: {  	[sflag:s15] =	ssyncadd.s32 $0xFFFF6000  }
0x33: {  	[tilespmem:s17], [sflag:$0x2] =	stream.indirect.gather [hbm4b:s4+s16], $0x40, s29, s16, $0xb8;
	[tilespmem:$0x1C580] =	vst v63  }
0x34: {  	s31 =	sadd.s32 s30, s11  }
0x35: {  	[hbm4b:s31+s2] =	stream.linear.scatter [tilespmem:s14], [sflag:$0x4], $0xA000, $0x38;
	[tilespmem:$0x1C580] =	vst v63  }
0x36: {  	_ =	swait.ge [sflag:s13], $0xA000  }
0x37: {  	[sflag:s13] =	ssyncset.done $0x0  }
0x38: {  	[sflag:s13] =	ssyncadd.s32 $0xFFFF6000  }
0x39: {  	_ =	swait.ge [sflag:s18], $0xA000  }
0x3a: {  	[sflag:s18] =	ssyncset.done $0x0  }
0x3b: {  	s31 =	sadd.s32 $0x280, s29;
	[sflag:s18] =	ssyncadd.s32 $0xFFFF6000  }
0x3c: {  	[tilespmem:s14], [sflag:$0x1] =	stream.indirect.gather [hbm4b:s4+s16], $0x40, s31, s16, $0xb8;
	[tilespmem:$0x1C580] =	vst v63  }
.Ltmp0:
0x3d: {  	_ = 	snop;
	(pc) =	sbr.rel @p0 .LBB2_2-.Ltmp0, $4  }
0x3e: {  	s30 =	sadd.s32 s30, s12  }
0x3f: {  	[hbm4b:s30+s2] =	stream.linear.scatter [tilespmem:s17], [sflag:$0x4], $0xA000, $0x38;
	[tilespmem:$0x1C580] =	vst v63  }
0x40: {  	_ =	swait.ge [sflag:s13], $0xA000  }
0x41: {  	[sflag:s13] =	ssyncset.done $0x0  }
0x42: {  	[sflag:s13] =	ssyncadd.s32 $0xFFFF6000  }
0x43: {  	_ =	swait.ge [sflag:s15], $0xA000  }
0x44: {  	[sflag:s15] =	ssyncset.done $0x0  }
0x45: {  	[sflag:s15] =	ssyncadd.s32 $0xFFFF6000  }
0x46: {  	[tilespmem:s17], [sflag:$0x2] =	stream.indirect.gather [hbm4b:s4+s16], $0x40, s19, s16, $0xb8;
	[tilespmem:$0x1C580] =	vst v63  }
0x47: {  	_ = 	snop  }
0x48: {  	[hbm4b:s9+s2] =	stream.linear.scatter [tilespmem:s14], [sflag:$0x4], $0xA000, $0x38;
	[tilespmem:$0x1C580] =	vst v63  }
0x49: {  	_ =	swait.ge [sflag:s13], $0xA000  }
0x4a: {  	[sflag:s13] =	ssyncset.done $0x0  }
0x4b: {  	[sflag:s13] =	ssyncadd.s32 $0xFFFF6000  }
0x4c: {  	_ =	swait.ge [sflag:s18], $0xA000  }
0x4d: {  	[sflag:s18] =	ssyncset.done $0x0  }
0x4e: {  	[sflag:s18] =	ssyncadd.s32 $0xFFFF6000  }
0x4f: {  	[hbm4b:s10+s2] =	stream.linear.scatter [tilespmem:s17], [sflag:$0x4], $0xA000, $0x38;
	[tilespmem:$0x1C580] =	vst v63  }
0x50: {  	_ =	swait.ge [sflag:s13], $0xA000  }
0x51: {  	[sflag:s13] =	ssyncset.done $0x0  }
0x52: {  	[sflag:s13] =	ssyncadd.s32 $0xFFFF6000  }
0x53: {  	[tilespmem:s20], [sflag:$0x4] =	stream.linear.gather [hbm4b:s6+s2], $0x80, $0x38;
	[tilespmem:$0x1C580] =	vst v63  }
0x54: {  	_ =	swait.ge [sflag:s13], $0x80  }
0x55: {  	[sflag:s13] =	ssyncset.done $0x0  }
0x56: {  	[sflag:s13] =	ssyncadd.s32 $0xFFFFFF80  }
0x57: {  	v8 =	vld [tilespmem:$0x1A400]  }
0x58: {  	v9 =	vld [tilespmem:$0x1A410]  }
0x59: {  	v10 =	vld [tilespmem:$0x1A420]  }
0x5a: {  	v11 =	vld [tilespmem:$0x1A430]  }
0x5b: {  	v12 =	vld [tilespmem:$0x1A440]  }
0x5c: {  	v13 =	vld [tilespmem:$0x1A450]  }
0x5d: {  	v14 =	vld [tilespmem:$0x1A460]  }
0x5e: {  	v15 =	vld [tilespmem:$0x1A470];
	_ =	sdelay $0x1  }
0x5f: {  	v8 =	vadd.s32 $0xFFFFFFFF, v8  }
0x60: {  	v9 =	vadd.s32 $0xFFFFFFFF, v9;
	v10 =	vadd.s32 $0xFFFFFFFF, v10;
	v11 =	vadd.s32 $0xFFFFFFFF, v11  }
0x61: {  	v12 =	vadd.s32 $0xFFFFFFFF, v12;
	v57 =	vadd.s32 $0xFFFFFFFF, v13;
	v59 =	vadd.s32 $0xFFFFFFFF, v14  }
0x62: {  	v61 =	vadd.s32 $0xFFFFFFFF, v15;
	vm0 =	vgt.s32 v8, $0x0;
	vm1 =	vgt.s32 v9, $0x0  }
0x63: {  	vm10 =	vgt.s32 v10, $0x0;
	vm11 =	vgt.s32 v11, $0x0;
	vm12 =	vgt.s32 v12, $0x0  }
0x64: {  	vm13 =	vgt.s32 v57, $0x0;
	vm14 =	vgt.s32 v59, $0x0;
	v8 =	vnsel vm0, $0x0, v8  }
0x65: {  	vm15 =	vgt.s32 v61, $0x0;
	v9 =	vnsel vm1, $0x0, v9;
	v8 =	vmin.u32 v8, $0xC7  }
0x66: {  	v10 =	vnsel vm10, $0x0, v10;
	v9 =	vmin.u32 v9, $0xC7;
	v8 =	vadd.s32 v8, v0  }
0x67: {  	v11 =	vnsel vm11, $0x0, v11;
	v10 =	vmin.u32 v10, $0xC7;
	v9 =	vadd.s32 v9, v1;
	[tilespmem:$0x1A480] =	vst v8  }
0x68: {  	v12 =	vnsel vm12, $0x0, v12;
	v11 =	vmin.u32 v11, $0xC7;
	v10 =	vadd.s32 v10, v2;
	[tilespmem:$0x1A490] =	vst v9  }
0x69: {  	v60 =	vnsel vm13, $0x0, v57;
	v56 =	vmin.u32 v12, $0xC7;
	v8 =	vadd.s32 v11, v3;
	[tilespmem:$0x1A4A0] =	vst v10  }
0x6a: {  	v62 =	vnsel vm14, $0x0, v59;
	v58 =	vadd.s32 v56, v4;
	[tilespmem:$0x1A4B0] =	vst v8;
	v8 =	vmin.u32 v60, $0xC7  }
0x6b: {  	v63 =	vnsel vm15, $0x0, v61;
	[tilespmem:$0x1A4C0] =	vst v58;
	v10 =	vmin.u32 v62, $0xC7;
	v8 =	vadd.s32 v8, v5  }
0x6c: {  	v9 =	vmin.u32 v63, $0xC7;
	[tilespmem:$0x1A4D0] =	vst v8;
	v8 =	vadd.s32 v10, v6  }
0x6d: {  	[tilespmem:$0x1A4E0] =	vst v8;
	v8 =	vadd.s32 v9, v7  }
0x6e: {  	[tilespmem:$0x1A4F0] =	vst v8  }
0x6f: {  	[tilespmem:s23], [sflag:$0x3] =	stream.indirect.gather [hbm4b:s3+s21], $0x1, s22, s21, $0xb8;
	[tilespmem:$0x1C580] =	vst v63  }
0x70: {  	_ =	swait.ge [sflag:s24], $0x80  }
0x71: {  	[sflag:s24] =	ssyncset.done $0x0  }
0x72: {  	[sflag:s24] =	ssyncadd.s32 $0xFFFFFF80  }
0x73: {  	[tilespmem:s25], [sflag:$0x3] =	stream.indirect.gather [hbm4b:s4+s21], $0x40, s23, s21, $0xb8;
	[tilespmem:$0x1C580] =	vst v63  }
0x74: {  	s26 =	sadd.s32 $0x1, s26;
	_ =	swait.ge [sflag:s24], $0x2000  }
0x75: {  	p0 =	sne.s32 s26, s8;
	[sflag:s24] =	ssyncset.done $0x0  }
.Ltmp1:
0x76: {  	[sflag:s24] =	ssyncadd.s32 $0xFFFFE000;
	(pc) =	sbr.rel @p0 .LBB2_1-.Ltmp1, $4  }
0x77: {  	[hbm4b:s7+s2] =	stream.linear.scatter [tilespmem:s25], [sflag:$0x4], $0x2000, $0x38;
	[tilespmem:$0x1C580] =	vst v63  }
0x78: {  	_ =	swait.ge [sflag:s13], $0x2000  }
0x79: {  	[sflag:s13] =	ssyncset.done $0x0  }
0x7a: {  	[sflag:s13] =	ssyncadd.s32 $0xFFFFE000  }
0x7b: {  	_ =	sfence.sel $0x180000  }
0x7c: {  	[bflag:$0x0] =	sbarrier.arrive $0xFFFF  }
0x7d: {  	p0 =	sne.s32 s0, $0x0;
	_ =	strace $0x90000047  }
0x7e: {  	s0 =	sadd.s32 @!p0 $0x100000, s1;
	[bflag:$0x2] =	sbarrier.arrive $0xFFFF  }
0x7f: {  	[sflag:s0] =	ssyncadd.tile.s32 @!p0 $0x1;
	_ =	shalt  }
.Lfunc_end2:
_tile_overlayer_lowered:
.L_overlay_start_2:
0x80: {  	(tag) =	ssettag $0x2  }
0x81: {  	s0 =	rddreg [dreg:$0x0];
	s2 =	stileid.u32  }
0x82: {  	s1 =	rddreg [dreg:$0x1];
	p0 =	sne.s32 s2, $0x0  }
0x83: {  	s3 =	rddreg [dreg:$0x2];
	[bflag:$0x3] =	sbarrier.arrive $0xFFFF;
	s2 =	simm.s32 @!p0 $0x1C04  }
0x84: {  	[timem:s3], [sflag:s2] =	dma.local @!p0 [hbm:s0], s1  }
0x85: {  	s0 =	simm.s32 @!p0 $0x4  }
0x86: {  	_ =	swait.ge @!p0 [sflag:s0], s1  }
0x87: {  	s1 =	ssub.s32 @!p0 $0x0, s1;
	[sflag:s0] =	ssyncset.done @!p0 $0x0  }
0x88: {  	[sflag:s0] =	ssyncadd.s32 @!p0 s1  }
0x89: {  	[bflag:$0x3] =	sbarrier.arrive $0xFFFF  }
0x8a: {  	_ =	shalt  }

// kernel: sparse-core-data-format-call.cloned.1.call-start
scs
called_computation_lowered:
.L_overlay_start_0:
0x0: {  	s2 =	sld [smem:$0x3FD9]  }
0x1: {  	s3 =	sld [smem:$0x3FFE];
	_ =	sdelay $0x1  }
0x2: {  	s1 =	srdreg.scid  }
0x3: {  	s0 =	sand.u32 $0x1, s1  }
0x4: {  	s15 =	sshll.u32 s0, $0xA;
	s2 =	sadd.s32 s3, s2  }
0x5: {  	s2 =	sadd.s32 s2, s15  }
0x6: {  	[smem:$0x3FC5] =	sst s2  }
0x7: {  	_ = 	snop  }
0x8: {  	s2 =	sld [smem:$0x3FD0];
	_ =	sdelay $0x2  }
0x9: {  	s16 =	simm.s32 $0xA;
	s4 =	simm.s32 $0x10  }
0xa: {  	[smem:s4], [sflag:s16] =	dma.local [hbm:s2], $0x1  }
0xb: {  	_ =	swait.eq [sflag:s16], $0x1  }
0xc: {  	[sflag:s16] =	ssyncset.done $0x0  }
0xd: {  	[sflag:s16] =	ssyncadd.s32 $0xFFFFFFFF  }
0xe: {  	s17 =	sld [smem:$0x10];
	(tm) =	ssettm $0x1  }
0xf: {  	s18 =	sld [smem:$0x3FFB];
	_ =	sdelay $0x3  }
0x10: {  	_ =	strace s18  }
0x11: {  	s3 =	sld [smem:$0x3FFC];
	_ =	sdelay $0x3  }
0x12: {  	_ =	strace s3  }
0x13: {  	s3 =	sld [smem:$0x3FFD];
	_ =	sdelay $0x3  }
0x14: {  	_ =	strace s3  }
0x15: {  	_ =	strace $0x8FFFFFFF  }
0x16: {  	s19 =	sld [smem:$0x3FDB];
	_ =	sdelay $0x1  }
0x17: {  	s20 =	simm.s32 $_scs_section_size  }
0x18: {  	s5 =	simm.s32 $_size__tile_overlayer_lowered;
	s6 =	simm.s32 $_tile_overlayer_lowered  }
0x19: {  	s23 =	simm.s32 $0x1BFF;
	s22 =	sshll.u32 s6, $0x1;
	s3 =	sadd.s32 s20, s19  }
0x1a: {  	s7 =	simm.s32 $0x0;
	s21 =	sshll.u32 s5, $0x1;
	s5 =	sadd.s32 s22, s3  }
0x1b: {  	[timem:s7], [sflag:s23] =	dma.local [hbm:s5], s21  }
0x1c: {  	_ =	swait.ge [sflag:s23], s21  }
0x1d: {  	s4 =	ssub.s32 $0x0, s21;
	[sflag:s23] =	ssyncset.done $0x0  }
0x1e: {  	[sflag:s23] =	ssyncadd.s32 s4;
	_ =	sdelay $0x1  }
0x1f: {  	s24 =	simm.s32 $0x1B8B  }
0x20: {  	_ =	swait.ge [sflag:s24], $0x1  }
0x21: {  	[sflag:s24] =	ssyncset.done $0x0  }
0x22: {  	s26 =	simm.s32 $0x1B8E;
	s25 =	sld [smem:$0x3FFE];
	[sflag:s24] =	ssyncadd.s32 $0xFFFFFFFF  }
0x23: {  	s27 =	simm.s32 $execute0_lowered;
	[smem:$0x3FD2] =	sst s26  }
0x24: {  	s5 =	sshll.u32 s27, $0x1;
	_ =	strace $0x80000049;
	[dreg:$0x1] =	wrdreg $0xFFFFFFFF  }
0x25: {  	s28 =	simm.s32 $_size_execute0_lowered;
	s3 =	sadd.s32 s3, s5;
	[dreg:$0x0] =	wrdreg $0x0  }
0x26: {  	s5 =	sshll.u32 s28, $0x1;
	[dreg:$0x2] =	wrdreg s3  }
0x27: {  	[dreg:$0x3] =	wrdreg s5  }
0x28: {  	[dreg:$0x4] =	wrdreg $0xC0  }
0x29: {  	_ =	task [dreg:s7], $0x5FFFF  }
0x2a: {  	[dreg:$0x1] =	wrdreg $0xFFFFFFFF  }
0x2b: {  	[dreg:$0x0] =	wrdreg $0x60  }
0x2c: {  	[dreg:$0x2] =	wrdreg s25  }
0x2d: {  	[dreg:$0x3] =	wrdreg s17  }
0x2e: {  	[dreg:$0x4] =	wrdreg $0x9  }
0x2f: {  	_ =	task.clear_ibuf [dreg:s7], $0x5FFFF;
	_ =	strace $0x90000049  }
0x30: {  	s29 =	simm.s32 $0x9;
	_ =	strace $0x8000004B  }
0x31: {  	_ =	swait.ge [sflag:s29], $0x1  }
0x32: {  	[sflag:s29] =	ssyncadd.s32 $0xFFFFFFFF  }
0x33: {  	_ =	strace $0x9000004B  }
0x34: {  	_ =	sfence  }
0x35: {  	s30 =	sld [smem:$0x0];
	_ =	sdelay $0x2  }
0x36: {  	s31 =	sshll.u32 s1, $0xD;
	s1 =	sshrl.u32 s1, $0x2  }
0x37: {  	s3 =	sand.u32 $0x4000, s31;
	s1 =	sadd.s32 s1, s30  }
0x38: {  	s0 =	sor.u32 s3, s0;
	s1 =	sshll.u32 s1, $0x11  }
0x39: {  	s0 =	sor.u32 s1, s0  }
0x3a: {  	s0 =	sadd.s32 $0x8F2B, s0  }
0x3b: {  	[sflag:s0] =	ssyncadd.remote.s32 $0x1  }
0x3c: {  	_ =	sfence.sel $0xFFFF  }
0x3d: {  	[dreg:$0x0] =	wrdreg $0xFFFFFFFF;
	(pc) =	sbr.abs _section_cstart, $3  }
0x3e: {  	[dreg:$0x1] =	wrdreg $0xFFFFFFFF  }
0x3f: {  	_ =	task.clear_ibuf [dreg:s7], $0x2FFFF;
	_ =	strace $0x9FFFFFFF  }
0x40: {  	(tm) =	ssettm $0x7FFFFFFF  }
0x41: {  	_ =	shalt  }
tec
execute0_lowered:
.L_overlay_start_1:
0x0: {  	(tag) =	ssettag $0x1  }
0x1: {  	s0 =	srdreg.scid  }
0x2: {  	s1 =	sshll.u32 s0, $0x4  }
0x3: {  	s0 =	stileid.u32;
	s1 =	sand.u32 $0x10, s1  }
0x4: {  	s1 =	sor.u32 s0, s1  }
0x5: {  	s6 =	rddreg [dreg:$0x0];
	s4 =	simm.s32 $0x1;
	s2 =	sshll.u32 s1, $0x7  }
0x6: {  	s7 =	simm.s32 $0x2;
	s12 =	simm.s32 $0x0;
	s1 =	ssub.s32 $0x1000, s2  }
0x7: {  	s8 =	simm.s32 $0x8000;
	s13 =	simm.s32 $0x0;
	s3 =	sand.u32 $0xF80, s1  }
0x8: {  	s9 =	simm.s32 $0x0;
	s5 =	sshrl.u32 s1, $0xC;
	p0 =	sne.s32 s3, $0x0  }
.Ltmp0:
0x9: {  	s1 =	rddreg [dreg:$0x2];
	s4 =	simm.s32 @!p0 $0x0;
	(pc) =	sbr.rel .LBB1_1-.Ltmp0, $4  }
0xa: {  	s11 =	simm.s32 $0x0;
	s3 =	rddreg [dreg:$0x1];
	s5 =	sadd.s32 s4, s5  }
0xb: {  	_ =	strace $0x8000004A;
	s4 =	simm.s32 $0x1;
	s5 =	smul.u32 $0xC8, s5  }
0xc: {  	s6 =	sadd.s32 $0xE00, s6;
	s10 =	smov.u32 s2;
	[sflag:s4] =	ssyncpa.u1 $0x0  }
0xd: {  	p0 =	por $0x0, $0x0;
	[sflag:s7] =	ssyncpa.u1 $0x0;
	s7 =	sor.u32 $0x1, s5  }
.LBB1_4:
0xe: {  	s16 =	sshll.u32 s13, $0x3;
	s17 =	sand.u32 $0x78, s13  }
0xf: {  	s30 =	sand.u32 $0x7E00, s13;
	s12 =	sshll.u32 s12, $0xF;
	s16 =	sand.u32 $0xC00, s16  }
0x10: {  	[tilespmem:s15+$0x810 ss:$0x81] =	vst.msk $0xffff, v2;
	s31 =	sand.u32 $0x7, s13;
	s16 =	sor.u32 s17, s16;
	s17 =	sadd.s32 s3, s30  }
0x11: {  	[tilespmem:s15+$0x1020 ss:$0x81] =	vst.msk $0xffff, v0;
	s13 =	sshll.u32 s31, $0x12;
	s12 =	sadd.s32 s12, s17;
	s16 =	sshrl.u32 s16, $0x3  }
0x12: {  	[tilespmem:s15+$0x0 ss:$0x81] =	vst.msk $0xffff, v1;
	s13 =	sor.u32 $0x400, s13;
	s12 =	sadd.s32 s16, s12  }
0x13: {  	[hbm4b:s12+s13] =	stream.strided.scatter [tilespmem:s14], [sflag:$0x2], $0x2000, s8, s13, $0x20;
	[tilespmem:$0x8080] =	vst v63  }
.LBB1_5:
0x14: {  	s14 =	sadd.s32 $0x1, s9  }
0x15: {  	s12 =	sadd.s32 $0x1000, s10;
	s16 =	smov.u32 s10;
	p2 =	sgt.s32 s14, $0xC7  }
0x16: {  	s16 =	smov.u32 @p2 s12  }
0x17: {  	s14 =	simm.s32 @p2 $0x0;
	p2 =	sgt.s32 s16, $0xFFF  }
0x18: {  	s16 =	smov.u32 @p2 s2;
	p2 =	sne.s32 s11, s7  }
.Ltmp1:
0x19: {  	p1 =	slt.u32 s11, $0x2;
	(pc) =	sbr.rel @!p2 .LBB1_6-.Ltmp1, $4  }
0x1a: {  	s15 =	simm.s32 @!p1 $0x2  }
0x1b: {  	s13 =	smov.u32 s10;
	p0 =	por !p0, !p0;
	_ =	swait.ge @!p1 [sflag:s15], $0x2000  }
0x1c: {  	s12 =	smov.u32 s9;
	[sflag:s15] =	ssyncset.done @!p1 $0x0;
	s9 =	smov.u32 s14  }
0x1d: {  	s11 =	sadd.s32 $0x1, s11;
	[sflag:s15] =	ssyncadd.s32 @!p1 $0xFFFFE000;
	s10 =	smov.u32 s16  }
.LBB1_1:
0x1e: {  	p1 =	sge.u32 s11, s5  }
0x1f: {  	s14 =	sand.u32 @!p1 $0x1FFFFFF, s9  }
0x20: {  	s15 =	smulhi.u32 @!p1 $0x147AE15, s14;
	_ =	sdelay $0x1  }
0x21: {  	s15 =	smul.u32 @!p1 $0xC8, s15  }
0x22: {  	s16 =	sxor.u32 @!p1 $0xFFFFFFFF, s11;
	s17 =	smul.u32 @!p1 $0xC80, s10  }
0x23: {  	s31 =	sadd.s32 $0xFFFFFFFF, s11;
	s16 =	sshll.u32 @!p1 s16, $0xD;
	s14 =	ssub.s32 @!p1 s14, s15  }
0x24: {  	s15 =	sand.u32 @!p1 $0x2000, s16;
	s16 =	sadd.s32 @!p1 s6, s17;
	s14 =	sshll.u32 @!p1 s14, $0x4  }
0x25: {  	s17 =	simm.s32 @!p1 $0x6400;
	s14 =	sadd.s32 @!p1 s14, s16;
	s16 =	simm.s32 @!p1 $0x40  }
0x26: {  	[tilespmem:s15], [sflag:$0x1] =	stream.strided.gather @!p1 [hbm4b:s14+s16], $0x2000, s17, s16, $0x38;
	[tilespmem:$0x8080] =	vst v63  }
0x27: {  	p1 =	sge.u32 s31, s5  }
.Ltmp2:
0x28: {  	_ = 	snop;
	(pc) =	sbr.rel @p1 .LBB1_5-.Ltmp2, $1  }
0x29: {  	_ =	sdelay $0x3  }
0x2a: {  	s14 =	simm.s32 $0x1  }
0x2b: {  	_ =	swait.ge [sflag:s4], $0x2000;
	s14 =	simm.s32 @!p0 $0x0  }
0x2c: {  	[sflag:s4] =	ssyncset.done $0x0;
	s15 =	sshll.u32 s14, $0xD  }
0x2d: {  	[sflag:s4] =	ssyncadd.s32 $0xFFFFE000;
	s18 =	sor.u32 $0x20, s15  }
0x2e: {  	s14 =	smul.u32 $0x8100, s14;
	v3 =	vld [tilespmem:s18+$0x10]  }
0x2f: {  	s30 =	sand.u32 $0x1, s11;
	v2 =	vld [tilespmem:s18+$0xFFFFFFF0]  }
0x30: {  	s15 =	smul.u32 $0x8100, s30;
	s14 =	sshrl.u32 s14, $0x2;
	v0 =	vld [tilespmem:s18+$0x0]  }
0x31: {  	v1 =	vld [tilespmem:s18+$0xFFFFFFE0];
	s16 =	sor.u32 $0x4000, s14  }
0x32: {  	s31 =	sshrl.u32 s15, $0x2;
	s15 =	sadd.s32 $0x0, s16  }
0x33: {  	s17 =	simm.s32 $0x4;
	s18 =	sadd.s32 $0x40, s18;
	s14 =	sor.u32 $0x4000, s31;
	[tilespmem:s15+$0x1830 ss:$0x81] =	vst.msk $0xffff, v3  }
.LBB1_3:
0x34: {  	v3 =	vld [tilespmem:s18+$0x10];
	p1 =	sne.s32 s17, $0x1FC;
	[tilespmem:s15+$0x810 ss:$0x81] =	vst.msk $0xffff, v2;
	s19 =	smov.u32 s17;
	s17 =	sadd.s32 $0x4, s17  }
.Ltmp3:
0x35: {  	v2 =	vld [tilespmem:s18+$0xFFFFFFF0];
	[tilespmem:s15+$0x1020 ss:$0x81] =	vst.msk $0xffff, v0;
	(pc) =	sbr.rel @p1 .LBB1_3-.Ltmp3, $4  }
0x36: {  	v0 =	vld [tilespmem:s18+$0x0];
	[tilespmem:s15+$0x0 ss:$0x81] =	vst.msk $0xffff, v1  }
0x37: {  	s15 =	sshra.s32 s19, $0x2;
	v1 =	vld [tilespmem:s18+$0xFFFFFFE0]  }
0x38: {  	s15 =	sadd.s32 s15, s16  }
0x39: {  	s18 =	sadd.s32 $0x40, s18;
	[tilespmem:s15+$0x1830 ss:$0x81] =	vst.msk $0xffff, v3  }
.Ltmp4:
0x3a: {  	_ = 	snop;
	(pc) =	sbr.rel .LBB1_4-.Ltmp4, $1  }
0x3b: {  	_ =	sdelay $0x3  }
.LBB1_6:
0x3c: {  	_ =	sfence.sel $0x180000  }
0x3d: {  	s2 =	simm.s32 $0x1;
	[bflag:$0x0] =	sbarrier.arrive $0xFFFF  }
0x3e: {  	s31 =	simm.s32 $0x2;
	[sflag:s2] =	ssyncpa.u1 $0x1  }
0x3f: {  	[sflag:s31] =	ssyncpa.u1 $0x1  }
0x40: {  	p0 =	sne.s32 s0, $0x0;
	_ =	strace $0x9000004A  }
0x41: {  	s0 =	sadd.s32 @!p0 $0x100000, s1;
	[bflag:$0x2] =	sbarrier.arrive $0xFFFF  }
0x42: {  	[sflag:s0] =	ssyncadd.tile.s32 @!p0 $0x1;
	_ =	shalt  }
.Lfunc_end1:
_tile_overlayer_lowered:
.L_overlay_start_2:
0x43: {  	(tag) =	ssettag $0x2  }
0x44: {  	s0 =	rddreg [dreg:$0x0];
	s2 =	stileid.u32  }
0x45: {  	s1 =	rddreg [dreg:$0x1];
	p0 =	sne.s32 s2, $0x0  }
0x46: {  	s3 =	rddreg [dreg:$0x2];
	[bflag:$0x3] =	sbarrier.arrive $0xFFFF;
	s2 =	simm.s32 @!p0 $0x1C01  }
0x47: {  	[timem:s3], [sflag:s2] =	dma.local @!p0 [hbm:s0], s1  }
0x48: {  	s0 =	simm.s32 @!p0 $0x1  }
0x49: {  	_ =	swait.ge @!p0 [sflag:s0], s1  }
0x4a: {  	s1 =	ssub.s32 @!p0 $0x0, s1;
	[sflag:s0] =	ssyncset.done @!p0 $0x0  }
0x4b: {  	[sflag:s0] =	ssyncadd.s32 @!p0 s1  }
0x4c: {  	[bflag:$0x3] =	sbarrier.arrive $0xFFFF  }
0x4d: {  	_ =	shalt  }

</sc_bundles>
